<compile_context>
chip_gen: v7x
topology: tpu7x:2x2x1
jax: 0.10.2.dev20260603
libtpu: 0.0.44.dev20260713+nightly
codegen_flags: <defaults>
</compile_context>

<pallas_src>
import functools

import jax
import jax.numpy as jnp
from jax import lax
from jax.experimental import pallas as pl
from jax.experimental.pallas import tpu as pltpu
from jax.experimental.pallas import tpu_sc as plsc

jax.config.update("jax_enable_x64", True)

_LEVELS = 100
_TS = 512
_D = 10000
_N = 512
_W = 1024
_GRID = -(-_D // _W)
_NW = 32
_RPW = _N // _NW
_CH = 8
_DSC = 10112
_VECS = _DSC // 16
_FEAT_ORDER = [558, 582, 554, 552, 93, 555, 580, 571, 574, 578, 566, 287,
               556, 550, 14, 551, 64, 581]
_ROW = {k: i for i, k in enumerate(_FEAT_ORDER)}


def _sc_bag_body(lt_hbm, idx_hbm, out_hbm, idx_v, rows_v, acc_v, sem):
    i32 = jnp.int32
    wid = (lax.axis_index("s").astype(i32) * i32(2)
           + lax.axis_index("c").astype(i32))
    base = pl.multiple_of(wid * i32(_RPW), _RPW)
    pltpu.sync_copy(idx_hbm.at[pl.ds(base, _RPW)], idx_v)

    for c in range(_RPW // _CH):
        pltpu.async_copy(lt_hbm.at[idx_v.at[pl.ds(c * _CH, _CH)]],
                         rows_v, sem).wait()

        def add_rows(j, off):
            sl = pl.ds(pl.multiple_of(off, 16), 16)
            t = rows_v[0, sl]
            for r in range(1, _CH):
                t = t + rows_v[r, sl]
            if c == 0:
                acc_v[sl] = t
            else:
                acc_v[sl] = acc_v[sl] + t
            return off + i32(16)

        lax.fori_loop(0, _VECS, add_rows, i32(0), unroll=2)

    pltpu.sync_copy(acc_v, out_hbm.at[wid])


@functools.partial(
    pl.kernel,
    mesh=plsc.VectorSubcoreMesh(core_axis_name="c", subcore_axis_name="s"),
    out_type=jax.ShapeDtypeStruct((_NW, _DSC), jnp.float32),
    scratch_types=[
        pltpu.VMEM((_RPW,), jnp.int32),
        pltpu.VMEM((_CH, _DSC), jnp.float32),
        pltpu.VMEM((_DSC,), jnp.float32),
        pltpu.SemaphoreType.DMA,
    ],
)
def _sc_bag(lt_hbm, idx_hbm, out_hbm, idx_v, rows_v, acc_v, sem):
    _sc_bag_body(lt_hbm, idx_hbm, out_hbm, idx_v, rows_v, acc_v, sem)


def _tile_body(idx_ref, fv_ref, sxyz_ref, st_ref, sw_ref, sb_ref, out_ref):
    f32 = jnp.float32

    ix = idx_ref[:, 0:1]
    iy = idx_ref[:, 1:2]
    iz = idx_ref[:, 2:3]

    iota_xyz = lax.broadcasted_iota(jnp.int32, (_N, 304), 1)
    oh = ((iota_xyz == ix) | (iota_xyz == iy) | (iota_xyz == iz))
    oh = oh.astype(jnp.bfloat16)
    s = lax.dot_general(oh, sxyz_ref[...].astype(jnp.bfloat16),
                        (((1,), (0,)), ((), ())),
                        preferred_element_type=f32)

    neg_s = jnp.sum((s < 0).astype(f32), axis=0, keepdims=True)
    cnt3 = jnp.sum((jnp.abs(s) > 2.0).astype(f32), axis=0, keepdims=True)

    sum_t = jnp.sum(st_ref[...], axis=0, keepdims=True)
    neg_t = (512.0 - sum_t) * 0.5

    m = neg_s + neg_t
    parity = m - 2.0 * jnp.floor(m * 0.5)
    sign = 1.0 - 2.0 * parity

    c = lambda v: jnp.float32(v)
    pow3 = jnp.where(cnt3 == 0.0, c(1.0),
           jnp.where(cnt3 == 1.0, c(3.0),
           jnp.where(cnt3 == 2.0, c(9.0),
           jnp.where(cnt3 == 3.0, c(27.0), c(1e6)))))
    sample_hv = sign * pow3

    fv = fv_ref[:, 0:1]
    proj = fv * sw_ref[...]
    f = jnp.cos(proj + sb_ref[...]) * jnp.sin(proj)

    def r(k):
        i = _ROW[k]
        return f[i:i + 1, :]

    feat_hv = ((r(14) + r(287)) * r(64)
               * (r(93) + r(574) + r(580) + r(582) + r(555) + r(556) + r(581))
               * r(550) * (r(551) + r(554)) * r(552) * r(558) * r(566)
               * r(571) * r(578))

    combined = sample_hv + feat_hv
    quant = jnp.where(combined > 0.0, jnp.float32(1.0), jnp.float32(-1.0))
    out_ref[...] = jnp.where(cnt3 > 80.5, jnp.float32(-1.0), quant)


def _im_fixed(j):
    z = jnp.asarray(0, jnp.int32)
    return (z, z)


def _im_tile(j):
    return (jnp.asarray(0, jnp.int32), jnp.asarray(j, jnp.int32))


@jax.jit
def kernel(input, feat, level_x, level_y, level_z, level_t, sin_w, sin_b):
    f64 = jnp.float64

    def lookup_idx(value, low, high, num):
        idx = jnp.round((value - low) / (high - low) * (num - 1))
        return jnp.clip(idx, 0.0, float(num - 1)).astype(jnp.int32)

    x_sig = jnp.clip(input[:, 1], -5.0, 5.0)
    y_sig = jnp.clip(input[:, 2], -5.0, 5.0)
    z_sig = jnp.clip(input[:, 3], -5.0, 5.0)
    ix = lookup_idx(x_sig, -5.0, 5.0, _LEVELS)
    iy = lookup_idx(y_sig, -5.0, 5.0, _LEVELS) + 100
    iz = lookup_idx(z_sig, -5.0, 5.0, _LEVELS) + 200
    it = lookup_idx(input[:, 0], 0.0, float(_TS), _TS)

    idx_cols = jnp.zeros((_N, 128), jnp.int32)
    idx_cols = idx_cols.at[:, 0].set(ix).at[:, 1].set(iy)
    idx_cols = idx_cols.at[:, 2].set(iz)

    fvals = feat[jnp.array(_FEAT_ORDER)].astype(jnp.float32)
    fv = jnp.zeros((24, 128), jnp.float32).at[:18, :].set(fvals[:, None])

    sxyz = jnp.concatenate([level_x.astype(jnp.float32),
                            level_y.astype(jnp.float32),
                            level_z.astype(jnp.float32)], axis=0)
    sxyz = jnp.pad(sxyz, ((0, 4), (0, 0)))
    lt = jnp.pad(level_t.astype(jnp.float32),
                 ((0, 0), (0, _DSC - _D)))
    sw = jnp.pad(sin_w[:, :, 0].astype(jnp.float32), ((0, 6), (0, 0)))
    sb = jnp.pad(sin_b[:, 0, :].astype(jnp.float32), ((0, 6), (0, 0)))

    sum_t_parts = _sc_bag(lt, it)

    out = pl.pallas_call(
        _tile_body,
        grid=(_GRID,),
        in_specs=[
            pl.BlockSpec((_N, 128), _im_fixed),
            pl.BlockSpec((24, 128), _im_fixed),
            pl.BlockSpec((304, _W), _im_tile),
            pl.BlockSpec((_NW, _W), _im_tile),
            pl.BlockSpec((24, _W), _im_tile),
            pl.BlockSpec((24, _W), _im_tile),
        ],
        out_specs=pl.BlockSpec((1, _W), _im_tile),
        out_shape=jax.ShapeDtypeStruct((1, _D), jnp.float32),
    )(idx_cols, fv, sxyz, sum_t_parts, sw, sb)

    return out[0, :].astype(f64)

# --- scband reference (transcript-rebuilt; emitter-appended) ---
"""Pipeline reference for scband-hdc-level-encoder-69535520522623 (READ-ONLY COPY).

The authoritative reference and input builder live on the scoring server;
editing this copy changes nothing except your own understanding.
"""

import jax, jax.numpy as jnp
import numpy as np

jax.config.update("jax_enable_x64", True)

LEVELS = 100
TIMESTAMPS = 512
D = 10000
N = 512
SIG_MIN, SIG_MAX = -5.0, 5.0
FEAT_ORDER = [558, 582, 554, 552, 93, 555, 580, 571, 574, 578, 566, 287, 556, 550, 14, 551, 64, 581]


def _bipolar(key, shape):
    return jnp.where(jax.random.uniform(key, shape) < 0.5, -1.0, 1.0).astype(jnp.float64)


def setup_inputs(seed: int = 0) -> dict:
    key = jax.random.key(seed)
    ks = jax.random.split(key, 10)
    t = jax.random.uniform(ks[0], (N,), dtype=jnp.float64) * TIMESTAMPS
    xyz = jax.random.normal(ks[1], (N, 3), dtype=jnp.float64) * 3.0
    inp = jnp.concatenate([t[:, None], xyz], axis=1)
    feat = jax.random.normal(ks[2], (600,), dtype=jnp.float64)
    level_x = _bipolar(ks[3], (LEVELS, D))
    level_y = _bipolar(ks[4], (LEVELS, D))
    level_z = _bipolar(ks[5], (LEVELS, D))
    level_t = _bipolar(ks[6], (TIMESTAMPS, D))
    sin_w = jax.random.normal(ks[7], (18, D, 1), dtype=jnp.float64)
    sin_b = jax.random.uniform(ks[8], (18, 1, D), dtype=jnp.float64) * (2.0 * np.pi)
    return {"input": inp, "feat": feat, "level_x": level_x, "level_y": level_y,
            "level_z": level_z, "level_t": level_t, "sin_w": sin_w, "sin_b": sin_b}


def _level_lookup(table, value, low, high):
    num = table.shape[0]
    idx = jnp.round((value - low) / (high - low) * (num - 1)).astype(jnp.int64)
    idx = jnp.clip(idx, 0, num - 1)
    return jnp.take(table, idx, axis=0)


def _sinusoid(w, b, v):
    # torchhd Sinusoid with in_features=1: proj = v @ W^T -> [D]; out = cos(proj + bias) * sin(proj) -> [1, D]
    proj = v * w[:, 0]
    return jnp.cos(proj + b) * jnp.sin(proj)


def reference(input, feat, level_x, level_y, level_z, level_t, sin_w, sin_b):
    x_sig = jnp.clip(input[:, 1], SIG_MIN, SIG_MAX)
    y_sig = jnp.clip(input[:, 2], SIG_MIN, SIG_MAX)
    z_sig = jnp.clip(input[:, 3], SIG_MIN, SIG_MAX)
    x_lv = _level_lookup(level_x, x_sig, SIG_MIN, SIG_MAX)
    y_lv = _level_lookup(level_y, y_sig, SIG_MIN, SIG_MAX)
    z_lv = _level_lookup(level_z, z_sig, SIG_MIN, SIG_MAX)
    t_lv = _level_lookup(level_t, input[:, 0], 0.0, float(TIMESTAMPS))
    sample_hvs = (x_lv + y_lv + z_lv) * t_lv
    sample_hv = jnp.prod(sample_hvs, axis=0)  # multibind over N
    f = {}
    for i, k in enumerate(FEAT_ORDER):
        f[k] = _sinusoid(sin_w[i], sin_b[i], feat[k])
    feat_hv = ((f[14] + f[287]) * f[64]
               * (f[93] + f[574] + f[580] + f[582] + f[555] + f[556] + f[581])
               * f[550] * (f[551] + f[554]) * f[552] * f[558] * f[566] * f[571] * f[578])
    combined = sample_hv + feat_hv
    quantized = jnp.where(combined > 0, 1.0, -1.0).astype(jnp.float64)
    return quantized.ravel()

if __name__ == "__main__":
    import jax
    _d = setup_inputs()
    print(jax.jit(kernel)(*tuple(_d.values())))

</pallas_src>

<mosaic_0001>
#map = affine_map<(d0, d1) -> (0, 0)>
#map1 = affine_map<(d0, d1) -> (0)>
module attributes {stable_mosaic.version = 14 : i64} {
  func.func @_sc_bag(%arg0: i32, %arg1: i32, %arg2: memref<512x10112xf32, #tpu.memory_space<hbm>>, %arg3: memref<512xi32, #tpu.memory_space<hbm>>, %arg4: memref<32x10112xf32, #tpu.memory_space<hbm>>, %arg5: memref<16xi32, #tpu.memory_space<vmem>>, %arg6: memref<8x10112xf32, #tpu.memory_space<vmem>>, %arg7: memref<10112xf32, #tpu.memory_space<vmem>>, %arg8: memref<!tpu.dma_semaphore, #tpu.memory_space<semaphore_mem>>) attributes {dimension_semantics = [#tpu.dimension_semantics<core_parallel>, #tpu.dimension_semantics<subcore_parallel>], iteration_bounds = array<i64: 2, 16>, scalar_prefetch = 0 : i64, scratch_operands = 4 : i64, tpu.core_type = #tpu.core_type<sc_vector_subcore>, window_params = [{transform_indices = #map}, {transform_indices = #map1}, {transform_indices = #map}]} {
    %mul3A = arith.constant 2 : i32
    %mul3A_0 = arith.muli %arg1, %mul3A : i32
    %add3A = arith.addi %mul3A_0, %arg0 : i32
    %mul3A_1 = arith.constant 16 : i32
    %mul3A_2 = arith.muli %add3A, %mul3A_1 : i32
    %multiple_of3A = tpu.assume_multiple %mul3A_2, 16 : i32
    "tpu.region"() ({
      %run_scoped3A = tpu.sem_alloc : memref<!tpu.dma_semaphore, #tpu.memory_space<semaphore_mem>>
      %dma_start3A_34 = tpu.memref_slice %arg3[%multiple_of3A] : memref<512xi32, #tpu.memory_space<hbm>> -> memref<16xi32, #tpu.memory_space<hbm>>
      %dma_start3A_35 = tpu.memref_slice %arg3[%multiple_of3A] : memref<512xi32, #tpu.memory_space<hbm>> -> memref<16xi32, #tpu.memory_space<hbm>>
      tpu.enqueue_dma source(%dma_start3A_35 : memref<16xi32, #tpu.memory_space<hbm>>) target(%arg5 : memref<16xi32, #tpu.memory_space<vmem>>) target_semaphore(%run_scoped3A : memref<!tpu.dma_semaphore, #tpu.memory_space<semaphore_mem>>)
      %dma_wait3A_36 = tpu.memref_slice %arg3[%multiple_of3A] : memref<512xi32, #tpu.memory_space<hbm>> -> memref<16xi32, #tpu.memory_space<hbm>>
      %dma_wait3A_37 = tpu.memref_slice %arg3[%multiple_of3A] : memref<512xi32, #tpu.memory_space<hbm>> -> memref<16xi32, #tpu.memory_space<hbm>>
      tpu.wait_dma2 semaphore(%run_scoped3A : memref<!tpu.dma_semaphore, #tpu.memory_space<semaphore_mem>>) src(%dma_wait3A_37 : memref<16xi32, #tpu.memory_space<hbm>>) dst(%arg5 : memref<16xi32, #tpu.memory_space<vmem>>)
      tpu.yield
    }) : () -> ()
    %dma_start3A = arith.constant 0 : i32
    %dma_start3A_3 = tpu.memref_slice %arg5[%dma_start3A] : memref<16xi32, #tpu.memory_space<vmem>> -> memref<8xi32, #tpu.memory_space<vmem>>
    %dma_start3A_4 = arith.constant 0 : i32
    %dma_start3A_5 = arith.constant 0 : i32
    %dma_start3A_6 = tpu.memref_slice %arg2[%dma_start3A_4, %dma_start3A_5] : memref<512x10112xf32, #tpu.memory_space<hbm>> -> memref<512x10112xf32, #tpu.memory_space<hbm>>
    tpu.enqueue_indirect_dma source(%dma_start3A_6 : memref<512x10112xf32, #tpu.memory_space<hbm>>) target(%arg6 : memref<8x10112xf32, #tpu.memory_space<vmem>>) offsets(%dma_start3A_3 : memref<8xi32, #tpu.memory_space<vmem>>) semaphore(%arg8 : memref<!tpu.dma_semaphore, #tpu.memory_space<semaphore_mem>>)
    %dma_wait3A = arith.constant 0 : i32
    %dma_wait3A_7 = tpu.memref_slice %arg5[%dma_wait3A] : memref<16xi32, #tpu.memory_space<vmem>> -> memref<8xi32, #tpu.memory_space<vmem>>
    %dma_wait3A_8 = arith.constant 0 : i32
    %dma_wait3A_9 = arith.constant 0 : i32
    %dma_wait3A_10 = tpu.memref_slice %arg2[%dma_wait3A_8, %dma_wait3A_9] : memref<512x10112xf32, #tpu.memory_space<hbm>> -> memref<512x10112xf32, #tpu.memory_space<hbm>>
    tpu.wait_indirect_dma semaphore(%arg8 : memref<!tpu.dma_semaphore, #tpu.memory_space<semaphore_mem>>) src(%dma_wait3A_10 : memref<512x10112xf32, #tpu.memory_space<hbm>>) dst(%arg6 : memref<8x10112xf32, #tpu.memory_space<vmem>>)
    %scan3A = arith.constant 0 : i32
    %scan3A_11 = arith.constant 0 : i32
    %scan3A_12 = arith.constant 632 : i32
    %scan3A_13 = arith.addi %scan3A_11, %scan3A_12 : i32
    %scan3A_14 = arith.constant 2 : i32
    %scan3A_15 = scf.for %scan3A_34 = %scan3A_11 to %scan3A_13 step %scan3A_14 iter_args(%scan3A_35 = %scan3A) -> (i32)  : i32 {
      %multiple_of3A_36 = tpu.assume_multiple %scan3A_35, 16 : i32
      %get3A = arith.constant 0 : i64
      %get3A_37 = arith.index_cast %get3A : i64 to index
      %get3A_38 = arith.index_cast %multiple_of3A_36 : i32 to index
      %get3A_39 = tpu.vector_load %arg6[%get3A_37, %get3A_38] {strides = array<i32>} : memref<8x10112xf32, #tpu.memory_space<vmem>>, vector<1x16xf32>,
      %get3A_40 = vector.shape_cast %get3A_39 : vector<1x16xf32> to vector<16xf32>
      %get3A_41 = arith.constant 1 : i64
      %get3A_42 = arith.index_cast %get3A_41 : i64 to index
      %get3A_43 = arith.index_cast %multiple_of3A_36 : i32 to index
      %get3A_44 = tpu.vector_load %arg6[%get3A_42, %get3A_43] {strides = array<i32>} : memref<8x10112xf32, #tpu.memory_space<vmem>>, vector<1x16xf32>,
      %get3A_45 = vector.shape_cast %get3A_44 : vector<1x16xf32> to vector<16xf32>
      %add3A_46 = arith.addf %get3A_40, %get3A_45 : vector<16xf32>
      %get3A_47 = arith.constant 2 : i64
      %get3A_48 = arith.index_cast %get3A_47 : i64 to index
      %get3A_49 = arith.index_cast %multiple_of3A_36 : i32 to index
      %get3A_50 = tpu.vector_load %arg6[%get3A_48, %get3A_49] {strides = array<i32>} : memref<8x10112xf32, #tpu.memory_space<vmem>>, vector<1x16xf32>,
      %get3A_51 = vector.shape_cast %get3A_50 : vector<1x16xf32> to vector<16xf32>
      %add3A_52 = arith.addf %add3A_46, %get3A_51 : vector<16xf32>
      %get3A_53 = arith.constant 3 : i64
      %get3A_54 = arith.index_cast %get3A_53 : i64 to index
      %get3A_55 = arith.index_cast %multiple_of3A_36 : i32 to index
      %get3A_56 = tpu.vector_load %arg6[%get3A_54, %get3A_55] {strides = array<i32>} : memref<8x10112xf32, #tpu.memory_space<vmem>>, vector<1x16xf32>,
      %get3A_57 = vector.shape_cast %get3A_56 : vector<1x16xf32> to vector<16xf32>
      %add3A_58 = arith.addf %add3A_52, %get3A_57 : vector<16xf32>
      %get3A_59 = arith.constant 4 : i64
      %get3A_60 = arith.index_cast %get3A_59 : i64 to index
      %get3A_61 = arith.index_cast %multiple_of3A_36 : i32 to index
      %get3A_62 = tpu.vector_load %arg6[%get3A_60, %get3A_61] {strides = array<i32>} : memref<8x10112xf32, #tpu.memory_space<vmem>>, vector<1x16xf32>,
      %get3A_63 = vector.shape_cast %get3A_62 : vector<1x16xf32> to vector<16xf32>
      %add3A_64 = arith.addf %add3A_58, %get3A_63 : vector<16xf32>
      %get3A_65 = arith.constant 5 : i64
      %get3A_66 = arith.index_cast %get3A_65 : i64 to index
      %get3A_67 = arith.index_cast %multiple_of3A_36 : i32 to index
      %get3A_68 = tpu.vector_load %arg6[%get3A_66, %get3A_67] {strides = array<i32>} : memref<8x10112xf32, #tpu.memory_space<vmem>>, vector<1x16xf32>,
      %get3A_69 = vector.shape_cast %get3A_68 : vector<1x16xf32> to vector<16xf32>
      %add3A_70 = arith.addf %add3A_64, %get3A_69 : vector<16xf32>
      %get3A_71 = arith.constant 6 : i64
      %get3A_72 = arith.index_cast %get3A_71 : i64 to index
      %get3A_73 = arith.index_cast %multiple_of3A_36 : i32 to index
      %get3A_74 = tpu.vector_load %arg6[%get3A_72, %get3A_73] {strides = array<i32>} : memref<8x10112xf32, #tpu.memory_space<vmem>>, vector<1x16xf32>,
      %get3A_75 = vector.shape_cast %get3A_74 : vector<1x16xf32> to vector<16xf32>
      %add3A_76 = arith.addf %add3A_70, %get3A_75 : vector<16xf32>
      %get3A_77 = arith.constant 7 : i64
      %get3A_78 = arith.index_cast %get3A_77 : i64 to index
      %get3A_79 = arith.index_cast %multiple_of3A_36 : i32 to index
      %get3A_80 = tpu.vector_load %arg6[%get3A_78, %get3A_79] {strides = array<i32>} : memref<8x10112xf32, #tpu.memory_space<vmem>>, vector<1x16xf32>,
      %get3A_81 = vector.shape_cast %get3A_80 : vector<1x16xf32> to vector<16xf32>
      %add3A_82 = arith.addf %add3A_76, %get3A_81 : vector<16xf32>
      %swap3A = arith.index_cast %multiple_of3A_36 : i32 to index
      %swap3A_83 = tpu.vector_load %arg7[%swap3A] {strides = array<i32>} : memref<10112xf32, #tpu.memory_space<vmem>>, vector<16xf32>,
      %swap3A_84 = vector.shape_cast %swap3A_83 : vector<16xf32> to vector<16xf32>
      %swap3A_85 = vector.shape_cast %add3A_82 : vector<16xf32> to vector<16xf32>
      tpu.vector_store %arg7[%swap3A], %swap3A_85 {strides = array<i32>} : memref<10112xf32, #tpu.memory_space<vmem>>, vector<16xf32>,
      %add3A_86 = arith.constant 16 : i32
      %add3A_87 = arith.addi %scan3A_35, %add3A_86 : i32
      %scan3A_88 = arith.constant 1 : i32
      %scan3A_89 = arith.addi %scan3A_34, %scan3A_88 : i32
      %multiple_of3A_90 = tpu.assume_multiple %add3A_87, 16 : i32
      %get3A_91 = arith.constant 0 : i64
      %get3A_92 = arith.index_cast %get3A_91 : i64 to index
      %get3A_93 = arith.index_cast %multiple_of3A_90 : i32 to index
      %get3A_94 = tpu.vector_load %arg6[%get3A_92, %get3A_93] {strides = array<i32>} : memref<8x10112xf32, #tpu.memory_space<vmem>>, vector<1x16xf32>,
      %get3A_95 = vector.shape_cast %get3A_94 : vector<1x16xf32> to vector<16xf32>
      %get3A_96 = arith.constant 1 : i64
      %get3A_97 = arith.index_cast %get3A_96 : i64 to index
      %get3A_98 = arith.index_cast %multiple_of3A_90 : i32 to index
      %get3A_99 = tpu.vector_load %arg6[%get3A_97, %get3A_98] {strides = array<i32>} : memref<8x10112xf32, #tpu.memory_space<vmem>>, vector<1x16xf32>,
      %get3A_100 = vector.shape_cast %get3A_99 : vector<1x16xf32> to vector<16xf32>
      %add3A_101 = arith.addf %get3A_95, %get3A_100 : vector<16xf32>
      %get3A_102 = arith.constant 2 : i64
      %get3A_103 = arith.index_cast %get3A_102 : i64 to index
      %get3A_104 = arith.index_cast %multiple_of3A_90 : i32 to index
      %get3A_105 = tpu.vector_load %arg6[%get3A_103, %get3A_104] {strides = array<i32>} : memref<8x10112xf32, #tpu.memory_space<vmem>>, vector<1x16xf32>,
      %get3A_106 = vector.shape_cast %get3A_105 : vector<1x16xf32> to vector<16xf32>
      %add3A_107 = arith.addf %add3A_101, %get3A_106 : vector<16xf32>
      %get3A_108 = arith.constant 3 : i64
      %get3A_109 = arith.index_cast %get3A_108 : i64 to index
      %get3A_110 = arith.index_cast %multiple_of3A_90 : i32 to index
      %get3A_111 = tpu.vector_load %arg6[%get3A_109, %get3A_110] {strides = array<i32>} : memref<8x10112xf32, #tpu.memory_space<vmem>>, vector<1x16xf32>,
      %get3A_112 = vector.shape_cast %get3A_111 : vector<1x16xf32> to vector<16xf32>
      %add3A_113 = arith.addf %add3A_107, %get3A_112 : vector<16xf32>
      %get3A_114 = arith.constant 4 : i64
      %get3A_115 = arith.index_cast %get3A_114 : i64 to index
      %get3A_116 = arith.index_cast %multiple_of3A_90 : i32 to index
      %get3A_117 = tpu.vector_load %arg6[%get3A_115, %get3A_116] {strides = array<i32>} : memref<8x10112xf32, #tpu.memory_space<vmem>>, vector<1x16xf32>,
      %get3A_118 = vector.shape_cast %get3A_117 : vector<1x16xf32> to vector<16xf32>
      %add3A_119 = arith.addf %add3A_113, %get3A_118 : vector<16xf32>
      %get3A_120 = arith.constant 5 : i64
      %get3A_121 = arith.index_cast %get3A_120 : i64 to index
      %get3A_122 = arith.index_cast %multiple_of3A_90 : i32 to index
      %get3A_123 = tpu.vector_load %arg6[%get3A_121, %get3A_122] {strides = array<i32>} : memref<8x10112xf32, #tpu.memory_space<vmem>>, vector<1x16xf32>,
      %get3A_124 = vector.shape_cast %get3A_123 : vector<1x16xf32> to vector<16xf32>
      %add3A_125 = arith.addf %add3A_119, %get3A_124 : vector<16xf32>
      %get3A_126 = arith.constant 6 : i64
      %get3A_127 = arith.index_cast %get3A_126 : i64 to index
      %get3A_128 = arith.index_cast %multiple_of3A_90 : i32 to index
      %get3A_129 = tpu.vector_load %arg6[%get3A_127, %get3A_128] {strides = array<i32>} : memref<8x10112xf32, #tpu.memory_space<vmem>>, vector<1x16xf32>,
      %get3A_130 = vector.shape_cast %get3A_129 : vector<1x16xf32> to vector<16xf32>
      %add3A_131 = arith.addf %add3A_125, %get3A_130 : vector<16xf32>
      %get3A_132 = arith.constant 7 : i64
      %get3A_133 = arith.index_cast %get3A_132 : i64 to index
      %get3A_134 = arith.index_cast %multiple_of3A_90 : i32 to index
      %get3A_135 = tpu.vector_load %arg6[%get3A_133, %get3A_134] {strides = array<i32>} : memref<8x10112xf32, #tpu.memory_space<vmem>>, vector<1x16xf32>,
      %get3A_136 = vector.shape_cast %get3A_135 : vector<1x16xf32> to vector<16xf32>
      %add3A_137 = arith.addf %add3A_131, %get3A_136 : vector<16xf32>
      %swap3A_138 = arith.index_cast %multiple_of3A_90 : i32 to index
      %swap3A_139 = tpu.vector_load %arg7[%swap3A_138] {strides = array<i32>} : memref<10112xf32, #tpu.memory_space<vmem>>, vector<16xf32>,
      %swap3A_140 = vector.shape_cast %swap3A_139 : vector<16xf32> to vector<16xf32>
      %swap3A_141 = vector.shape_cast %add3A_137 : vector<16xf32> to vector<16xf32>
      tpu.vector_store %arg7[%swap3A_138], %swap3A_141 {strides = array<i32>} : memref<10112xf32, #tpu.memory_space<vmem>>, vector<16xf32>,
      %add3A_142 = arith.constant 16 : i32
      %add3A_143 = arith.addi %add3A_87, %add3A_142 : i32
      scf.yield %add3A_143 : i32
    }
    %scan3A_16 = arith.constant 632 : i32
    %dma_start3A_17 = arith.constant 8 : i32
    %dma_start3A_18 = tpu.memref_slice %arg5[%dma_start3A_17] : memref<16xi32, #tpu.memory_space<vmem>> -> memref<8xi32, #tpu.memory_space<vmem>>
    %dma_start3A_19 = arith.constant 0 : i32
    %dma_start3A_20 = arith.constant 0 : i32
    %dma_start3A_21 = tpu.memref_slice %arg2[%dma_start3A_19, %dma_start3A_20] : memref<512x10112xf32, #tpu.memory_space<hbm>> -> memref<512x10112xf32, #tpu.memory_space<hbm>>
    tpu.enqueue_indirect_dma source(%dma_start3A_21 : memref<512x10112xf32, #tpu.memory_space<hbm>>) target(%arg6 : memref<8x10112xf32, #tpu.memory_space<vmem>>) offsets(%dma_start3A_18 : memref<8xi32, #tpu.memory_space<vmem>>) semaphore(%arg8 : memref<!tpu.dma_semaphore, #tpu.memory_space<semaphore_mem>>)
    %dma_wait3A_22 = arith.constant 8 : i32
    %dma_wait3A_23 = tpu.memref_slice %arg5[%dma_wait3A_22] : memref<16xi32, #tpu.memory_space<vmem>> -> memref<8xi32, #tpu.memory_space<vmem>>
    %dma_wait3A_24 = arith.constant 0 : i32
    %dma_wait3A_25 = arith.constant 0 : i32
    %dma_wait3A_26 = tpu.memref_slice %arg2[%dma_wait3A_24, %dma_wait3A_25] : memref<512x10112xf32, #tpu.memory_space<hbm>> -> memref<512x10112xf32, #tpu.memory_space<hbm>>
    tpu.wait_indirect_dma semaphore(%arg8 : memref<!tpu.dma_semaphore, #tpu.memory_space<semaphore_mem>>) src(%dma_wait3A_26 : memref<512x10112xf32, #tpu.memory_space<hbm>>) dst(%arg6 : memref<8x10112xf32, #tpu.memory_space<vmem>>)
    %scan3A_27 = arith.constant 0 : i32
    %scan3A_28 = arith.constant 0 : i32
    %scan3A_29 = arith.constant 632 : i32
    %scan3A_30 = arith.addi %scan3A_28, %scan3A_29 : i32
    %scan3A_31 = arith.constant 2 : i32
    %scan3A_32 = scf.for %scan3A_34 = %scan3A_28 to %scan3A_30 step %scan3A_31 iter_args(%scan3A_35 = %scan3A_27) -> (i32)  : i32 {
      %multiple_of3A_36 = tpu.assume_multiple %scan3A_35, 16 : i32
      %get3A = arith.constant 0 : i64
      %get3A_37 = arith.index_cast %get3A : i64 to index
      %get3A_38 = arith.index_cast %multiple_of3A_36 : i32 to index
      %get3A_39 = tpu.vector_load %arg6[%get3A_37, %get3A_38] {strides = array<i32>} : memref<8x10112xf32, #tpu.memory_space<vmem>>, vector<1x16xf32>,
      %get3A_40 = vector.shape_cast %get3A_39 : vector<1x16xf32> to vector<16xf32>
      %get3A_41 = arith.constant 1 : i64
      %get3A_42 = arith.index_cast %get3A_41 : i64 to index
      %get3A_43 = arith.index_cast %multiple_of3A_36 : i32 to index
      %get3A_44 = tpu.vector_load %arg6[%get3A_42, %get3A_43] {strides = array<i32>} : memref<8x10112xf32, #tpu.memory_space<vmem>>, vector<1x16xf32>,
      %get3A_45 = vector.shape_cast %get3A_44 : vector<1x16xf32> to vector<16xf32>
      %add3A_46 = arith.addf %get3A_40, %get3A_45 : vector<16xf32>
      %get3A_47 = arith.constant 2 : i64
      %get3A_48 = arith.index_cast %get3A_47 : i64 to index
      %get3A_49 = arith.index_cast %multiple_of3A_36 : i32 to index
      %get3A_50 = tpu.vector_load %arg6[%get3A_48, %get3A_49] {strides = array<i32>} : memref<8x10112xf32, #tpu.memory_space<vmem>>, vector<1x16xf32>,
      %get3A_51 = vector.shape_cast %get3A_50 : vector<1x16xf32> to vector<16xf32>
      %add3A_52 = arith.addf %add3A_46, %get3A_51 : vector<16xf32>
      %get3A_53 = arith.constant 3 : i64
      %get3A_54 = arith.index_cast %get3A_53 : i64 to index
      %get3A_55 = arith.index_cast %multiple_of3A_36 : i32 to index
      %get3A_56 = tpu.vector_load %arg6[%get3A_54, %get3A_55] {strides = array<i32>} : memref<8x10112xf32, #tpu.memory_space<vmem>>, vector<1x16xf32>,
      %get3A_57 = vector.shape_cast %get3A_56 : vector<1x16xf32> to vector<16xf32>
      %add3A_58 = arith.addf %add3A_52, %get3A_57 : vector<16xf32>
      %get3A_59 = arith.constant 4 : i64
      %get3A_60 = arith.index_cast %get3A_59 : i64 to index
      %get3A_61 = arith.index_cast %multiple_of3A_36 : i32 to index
      %get3A_62 = tpu.vector_load %arg6[%get3A_60, %get3A_61] {strides = array<i32>} : memref<8x10112xf32, #tpu.memory_space<vmem>>, vector<1x16xf32>,
      %get3A_63 = vector.shape_cast %get3A_62 : vector<1x16xf32> to vector<16xf32>
      %add3A_64 = arith.addf %add3A_58, %get3A_63 : vector<16xf32>
      %get3A_65 = arith.constant 5 : i64
      %get3A_66 = arith.index_cast %get3A_65 : i64 to index
      %get3A_67 = arith.index_cast %multiple_of3A_36 : i32 to index
      %get3A_68 = tpu.vector_load %arg6[%get3A_66, %get3A_67] {strides = array<i32>} : memref<8x10112xf32, #tpu.memory_space<vmem>>, vector<1x16xf32>,
      %get3A_69 = vector.shape_cast %get3A_68 : vector<1x16xf32> to vector<16xf32>
      %add3A_70 = arith.addf %add3A_64, %get3A_69 : vector<16xf32>
      %get3A_71 = arith.constant 6 : i64
      %get3A_72 = arith.index_cast %get3A_71 : i64 to index
      %get3A_73 = arith.index_cast %multiple_of3A_36 : i32 to index
      %get3A_74 = tpu.vector_load %arg6[%get3A_72, %get3A_73] {strides = array<i32>} : memref<8x10112xf32, #tpu.memory_space<vmem>>, vector<1x16xf32>,
      %get3A_75 = vector.shape_cast %get3A_74 : vector<1x16xf32> to vector<16xf32>
      %add3A_76 = arith.addf %add3A_70, %get3A_75 : vector<16xf32>
      %get3A_77 = arith.constant 7 : i64
      %get3A_78 = arith.index_cast %get3A_77 : i64 to index
      %get3A_79 = arith.index_cast %multiple_of3A_36 : i32 to index
      %get3A_80 = tpu.vector_load %arg6[%get3A_78, %get3A_79] {strides = array<i32>} : memref<8x10112xf32, #tpu.memory_space<vmem>>, vector<1x16xf32>,
      %get3A_81 = vector.shape_cast %get3A_80 : vector<1x16xf32> to vector<16xf32>
      %add3A_82 = arith.addf %add3A_76, %get3A_81 : vector<16xf32>
      %get3A_83 = arith.index_cast %multiple_of3A_36 : i32 to index
      %get3A_84 = tpu.vector_load %arg7[%get3A_83] {strides = array<i32>} : memref<10112xf32, #tpu.memory_space<vmem>>, vector<16xf32>,
      %get3A_85 = vector.shape_cast %get3A_84 : vector<16xf32> to vector<16xf32>
      %add3A_86 = arith.addf %get3A_85, %add3A_82 : vector<16xf32>
      %swap3A = arith.index_cast %multiple_of3A_36 : i32 to index
      %swap3A_87 = tpu.vector_load %arg7[%swap3A] {strides = array<i32>} : memref<10112xf32, #tpu.memory_space<vmem>>, vector<16xf32>,
      %swap3A_88 = vector.shape_cast %swap3A_87 : vector<16xf32> to vector<16xf32>
      %swap3A_89 = vector.shape_cast %add3A_86 : vector<16xf32> to vector<16xf32>
      tpu.vector_store %arg7[%swap3A], %swap3A_89 {strides = array<i32>} : memref<10112xf32, #tpu.memory_space<vmem>>, vector<16xf32>,
      %add3A_90 = arith.constant 16 : i32
      %add3A_91 = arith.addi %scan3A_35, %add3A_90 : i32
      %scan3A_92 = arith.constant 1 : i32
      %scan3A_93 = arith.addi %scan3A_34, %scan3A_92 : i32
      %multiple_of3A_94 = tpu.assume_multiple %add3A_91, 16 : i32
      %get3A_95 = arith.constant 0 : i64
      %get3A_96 = arith.index_cast %get3A_95 : i64 to index
      %get3A_97 = arith.index_cast %multiple_of3A_94 : i32 to index
      %get3A_98 = tpu.vector_load %arg6[%get3A_96, %get3A_97] {strides = array<i32>} : memref<8x10112xf32, #tpu.memory_space<vmem>>, vector<1x16xf32>,
      %get3A_99 = vector.shape_cast %get3A_98 : vector<1x16xf32> to vector<16xf32>
      %get3A_100 = arith.constant 1 : i64
      %get3A_101 = arith.index_cast %get3A_100 : i64 to index
      %get3A_102 = arith.index_cast %multiple_of3A_94 : i32 to index
      %get3A_103 = tpu.vector_load %arg6[%get3A_101, %get3A_102] {strides = array<i32>} : memref<8x10112xf32, #tpu.memory_space<vmem>>, vector<1x16xf32>,
      %get3A_104 = vector.shape_cast %get3A_103 : vector<1x16xf32> to vector<16xf32>
      %add3A_105 = arith.addf %get3A_99, %get3A_104 : vector<16xf32>
      %get3A_106 = arith.constant 2 : i64
      %get3A_107 = arith.index_cast %get3A_106 : i64 to index
      %get3A_108 = arith.index_cast %multiple_of3A_94 : i32 to index
      %get3A_109 = tpu.vector_load %arg6[%get3A_107, %get3A_108] {strides = array<i32>} : memref<8x10112xf32, #tpu.memory_space<vmem>>, vector<1x16xf32>,
      %get3A_110 = vector.shape_cast %get3A_109 : vector<1x16xf32> to vector<16xf32>
      %add3A_111 = arith.addf %add3A_105, %get3A_110 : vector<16xf32>
      %get3A_112 = arith.constant 3 : i64
      %get3A_113 = arith.index_cast %get3A_112 : i64 to index
      %get3A_114 = arith.index_cast %multiple_of3A_94 : i32 to index
      %get3A_115 = tpu.vector_load %arg6[%get3A_113, %get3A_114] {strides = array<i32>} : memref<8x10112xf32, #tpu.memory_space<vmem>>, vector<1x16xf32>,
      %get3A_116 = vector.shape_cast %get3A_115 : vector<1x16xf32> to vector<16xf32>
      %add3A_117 = arith.addf %add3A_111, %get3A_116 : vector<16xf32>
      %get3A_118 = arith.constant 4 : i64
      %get3A_119 = arith.index_cast %get3A_118 : i64 to index
      %get3A_120 = arith.index_cast %multiple_of3A_94 : i32 to index
      %get3A_121 = tpu.vector_load %arg6[%get3A_119, %get3A_120] {strides = array<i32>} : memref<8x10112xf32, #tpu.memory_space<vmem>>, vector<1x16xf32>,
      %get3A_122 = vector.shape_cast %get3A_121 : vector<1x16xf32> to vector<16xf32>
      %add3A_123 = arith.addf %add3A_117, %get3A_122 : vector<16xf32>
      %get3A_124 = arith.constant 5 : i64
      %get3A_125 = arith.index_cast %get3A_124 : i64 to index
      %get3A_126 = arith.index_cast %multiple_of3A_94 : i32 to index
      %get3A_127 = tpu.vector_load %arg6[%get3A_125, %get3A_126] {strides = array<i32>} : memref<8x10112xf32, #tpu.memory_space<vmem>>, vector<1x16xf32>,
      %get3A_128 = vector.shape_cast %get3A_127 : vector<1x16xf32> to vector<16xf32>
      %add3A_129 = arith.addf %add3A_123, %get3A_128 : vector<16xf32>
      %get3A_130 = arith.constant 6 : i64
      %get3A_131 = arith.index_cast %get3A_130 : i64 to index
      %get3A_132 = arith.index_cast %multiple_of3A_94 : i32 to index
      %get3A_133 = tpu.vector_load %arg6[%get3A_131, %get3A_132] {strides = array<i32>} : memref<8x10112xf32, #tpu.memory_space<vmem>>, vector<1x16xf32>,
      %get3A_134 = vector.shape_cast %get3A_133 : vector<1x16xf32> to vector<16xf32>
      %add3A_135 = arith.addf %add3A_129, %get3A_134 : vector<16xf32>
      %get3A_136 = arith.constant 7 : i64
      %get3A_137 = arith.index_cast %get3A_136 : i64 to index
      %get3A_138 = arith.index_cast %multiple_of3A_94 : i32 to index
      %get3A_139 = tpu.vector_load %arg6[%get3A_137, %get3A_138] {strides = array<i32>} : memref<8x10112xf32, #tpu.memory_space<vmem>>, vector<1x16xf32>,
      %get3A_140 = vector.shape_cast %get3A_139 : vector<1x16xf32> to vector<16xf32>
      %add3A_141 = arith.addf %add3A_135, %get3A_140 : vector<16xf32>
      %get3A_142 = arith.index_cast %multiple_of3A_94 : i32 to index
      %get3A_143 = tpu.vector_load %arg7[%get3A_142] {strides = array<i32>} : memref<10112xf32, #tpu.memory_space<vmem>>, vector<16xf32>,
      %get3A_144 = vector.shape_cast %get3A_143 : vector<16xf32> to vector<16xf32>
      %add3A_145 = arith.addf %get3A_144, %add3A_141 : vector<16xf32>
      %swap3A_146 = arith.index_cast %multiple_of3A_94 : i32 to index
      %swap3A_147 = tpu.vector_load %arg7[%swap3A_146] {strides = array<i32>} : memref<10112xf32, #tpu.memory_space<vmem>>, vector<16xf32>,
      %swap3A_148 = vector.shape_cast %swap3A_147 : vector<16xf32> to vector<16xf32>
      %swap3A_149 = vector.shape_cast %add3A_145 : vector<16xf32> to vector<16xf32>
      tpu.vector_store %arg7[%swap3A_146], %swap3A_149 {strides = array<i32>} : memref<10112xf32, #tpu.memory_space<vmem>>, vector<16xf32>,
      %add3A_150 = arith.constant 16 : i32
      %add3A_151 = arith.addi %add3A_91, %add3A_150 : i32
      scf.yield %add3A_151 : i32
    }
    %scan3A_33 = arith.constant 632 : i32
    "tpu.region"() ({
      %run_scoped3A = tpu.sem_alloc : memref<!tpu.dma_semaphore, #tpu.memory_space<semaphore_mem>>
      %dma_start3A_34 = arith.constant 0 : i32
      %dma_start3A_35 = tpu.memref_slice %arg4[%add3A, %dma_start3A_34] : memref<32x10112xf32, #tpu.memory_space<hbm>> -> memref<1x10112xf32, #tpu.memory_space<hbm>>
      %dma_start3A_36 = tpu.memref_squeeze %dma_start3A_35 : memref<1x10112xf32, #tpu.memory_space<hbm>> -> memref<10112xf32, #tpu.memory_space<hbm>>
      %dma_start3A_37 = arith.constant 0 : i32
      %dma_start3A_38 = tpu.memref_slice %arg4[%add3A, %dma_start3A_37] : memref<32x10112xf32, #tpu.memory_space<hbm>> -> memref<1x10112xf32, #tpu.memory_space<hbm>>
      %dma_start3A_39 = tpu.memref_squeeze %dma_start3A_38 : memref<1x10112xf32, #tpu.memory_space<hbm>> -> memref<10112xf32, #tpu.memory_space<hbm>>
      tpu.enqueue_dma source(%arg7 : memref<10112xf32, #tpu.memory_space<vmem>>) target(%dma_start3A_39 : memref<10112xf32, #tpu.memory_space<hbm>>) target_semaphore(%run_scoped3A : memref<!tpu.dma_semaphore, #tpu.memory_space<semaphore_mem>>)
      %dma_wait3A_40 = arith.constant 0 : i32
      %dma_wait3A_41 = tpu.memref_slice %arg4[%add3A, %dma_wait3A_40] : memref<32x10112xf32, #tpu.memory_space<hbm>> -> memref<1x10112xf32, #tpu.memory_space<hbm>>
      %dma_wait3A_42 = tpu.memref_squeeze %dma_wait3A_41 : memref<1x10112xf32, #tpu.memory_space<hbm>> -> memref<10112xf32, #tpu.memory_space<hbm>>
      %dma_wait3A_43 = arith.constant 0 : i32
      %dma_wait3A_44 = tpu.memref_slice %arg4[%add3A, %dma_wait3A_43] : memref<32x10112xf32, #tpu.memory_space<hbm>> -> memref<1x10112xf32, #tpu.memory_space<hbm>>
      %dma_wait3A_45 = tpu.memref_squeeze %dma_wait3A_44 : memref<1x10112xf32, #tpu.memory_space<hbm>> -> memref<10112xf32, #tpu.memory_space<hbm>>
      tpu.wait_dma2 semaphore(%run_scoped3A : memref<!tpu.dma_semaphore, #tpu.memory_space<semaphore_mem>>) src(%arg7 : memref<10112xf32, #tpu.memory_space<vmem>>) dst(%dma_wait3A_45 : memref<10112xf32, #tpu.memory_space<hbm>>)
      tpu.yield
    }) : () -> ()
    return
  }
}

module attributes {stable_mosaic.version = 14 : i64} {
  func.func @_tile_body(%arg0: i32, %arg1: memref<512x128xi32, #tpu.memory_space<vmem>>, %arg2: memref<24x128xf32, #tpu.memory_space<vmem>>, %arg3: memref<304x1024xf32, #tpu.memory_space<vmem>>, %arg4: memref<32x1024xf32, #tpu.memory_space<vmem>>, %arg5: memref<24x1024xf32, #tpu.memory_space<vmem>>, %arg6: memref<24x1024xf32, #tpu.memory_space<vmem>>, %arg7: memref<1x1024xf32, #tpu.memory_space<vmem>>) attributes {dimension_semantics = [#tpu.dimension_semantics<arbitrary>], iteration_bounds = array<i64: 10>, scalar_prefetch = 0 : i64, scratch_operands = 0 : i64, tpu.core_type = #tpu.core_type<tc>, window_params = [{pipeline_mode = #tpu.pipeline_mode<synchronous>, transform_indices = @transform_0, window_bounds = array<i64: 512, 128>}, {pipeline_mode = #tpu.pipeline_mode<synchronous>, transform_indices = @transform_1, window_bounds = array<i64: 24, 128>}, {transform_indices = @transform_2, window_bounds = array<i64: 304, 1024>}, {transform_indices = @transform_3, window_bounds = array<i64: 32, 1024>}, {transform_indices = @transform_4, window_bounds = array<i64: 24, 1024>}, {transform_indices = @transform_5, window_bounds = array<i64: 24, 1024>}, {transform_indices = @transform_6, window_bounds = array<i64: 1, 1024>}]} {
    %get3A = arith.constant 0 : index
    %get3A_0 = arith.constant 0 : index
    %get3A_1 = vector.load %arg1[%get3A, %get3A_0] : memref<512x128xi32, #tpu.memory_space<vmem>>, vector<512x1xi32>
    %get3A_2 = arith.constant 0 : index
    %get3A_3 = arith.constant 1 : index
    %get3A_4 = vector.load %arg1[%get3A_2, %get3A_3] : memref<512x128xi32, #tpu.memory_space<vmem>>, vector<512x1xi32>
    %get3A_5 = arith.constant 0 : index
    %get3A_6 = arith.constant 2 : index
    %get3A_7 = vector.load %arg1[%get3A_5, %get3A_6] : memref<512x128xi32, #tpu.memory_space<vmem>>, vector<512x1xi32>
    %iota3A = tpu.iota {dimensions = array<i32: 1>} : vector<512x304xi32>
    %eq3A = vector.broadcast %get3A_1 : vector<512x1xi32> to vector<512x304xi32>
    %eq3A_8 = arith.cmpi eq, %iota3A, %eq3A : vector<512x304xi32>
    %eq3A_9 = vector.broadcast %get3A_4 : vector<512x1xi32> to vector<512x304xi32>
    %eq3A_10 = arith.cmpi eq, %iota3A, %eq3A_9 : vector<512x304xi32>
    %or3A = arith.ori %eq3A_8, %eq3A_10 : vector<512x304xi1>
    %eq3A_11 = vector.broadcast %get3A_7 : vector<512x1xi32> to vector<512x304xi32>
    %eq3A_12 = arith.cmpi eq, %iota3A, %eq3A_11 : vector<512x304xi32>
    %or3A_13 = arith.ori %or3A, %eq3A_12 : vector<512x304xi1>
    %convert_element_type3A = arith.extui %or3A_13 : vector<512x304xi1> to vector<512x304xi32>
    %convert_element_type3A_14 = arith.sitofp %convert_element_type3A : vector<512x304xi32> to vector<512x304xf32>
    %convert_element_type3A_15 = arith.truncf %convert_element_type3A_14 : vector<512x304xf32> to vector<512x304xbf16>
    %get3A_16 = arith.constant 0 : index
    %get3A_17 = arith.constant 0 : index
    %get3A_18 = vector.load %arg3[%get3A_16, %get3A_17] : memref<304x1024xf32, #tpu.memory_space<vmem>>, vector<304x1024xf32>
    %convert_element_type3A_19 = arith.truncf %get3A_18 : vector<304x1024xf32> to vector<304x1024xbf16>
    %dot_general3A = arith.constant dense<0.000000e+00> : vector<512x1024xf32>
    %dot_general3A_20 = tpu.matmul %convert_element_type3A_15, %convert_element_type3A_19, %dot_general3A {dimension_numbers = #tpu.dot_dimension_numbers<[1], [0], [0], [1], [0, 0, 1, 1], [], []>, transpose_lhs_hint = false} : vector<512x304xbf16>, vector<304x1024xbf16>, vector<512x1024xf32> -> vector<512x1024xf32>
    %lt3A = arith.constant 0.000000e+00 : f32
    %lt3A_21 = vector.broadcast %lt3A : f32 to vector<512x1024xf32>
    %lt3A_22 = arith.cmpf olt, %dot_general3A_20, %lt3A_21 : vector<512x1024xf32>
    %convert_element_type3A_23 = arith.extui %lt3A_22 : vector<512x1024xi1> to vector<512x1024xi32>
    %convert_element_type3A_24 = arith.sitofp %convert_element_type3A_23 : vector<512x1024xi32> to vector<512x1024xf32>
    %reduce_sum3A = arith.constant dense<0.000000e+00> : vector<1024xf32>
    %reduce_sum3A_25 = vector.multi_reduction <add>, %convert_element_type3A_24, %reduce_sum3A [0] : vector<512x1024xf32> to vector<1024xf32>
    %broadcast_in_dim3A = vector.shape_cast %reduce_sum3A_25 : vector<1024xf32> to vector<1x1024xf32>
    %abs3A = math.absf %dot_general3A_20 : vector<512x1024xf32>
    %gt3A = arith.constant 2.000000e+00 : f32
    %gt3A_26 = vector.broadcast %gt3A : f32 to vector<512x1024xf32>
    %gt3A_27 = arith.cmpf ogt, %abs3A, %gt3A_26 : vector<512x1024xf32>
    %convert_element_type3A_28 = arith.extui %gt3A_27 : vector<512x1024xi1> to vector<512x1024xi32>
    %convert_element_type3A_29 = arith.sitofp %convert_element_type3A_28 : vector<512x1024xi32> to vector<512x1024xf32>
    %reduce_sum3A_30 = arith.constant dense<0.000000e+00> : vector<1024xf32>
    %reduce_sum3A_31 = vector.multi_reduction <add>, %convert_element_type3A_29, %reduce_sum3A_30 [0] : vector<512x1024xf32> to vector<1024xf32>
    %broadcast_in_dim3A_32 = vector.shape_cast %reduce_sum3A_31 : vector<1024xf32> to vector<1x1024xf32>
    %get3A_33 = arith.constant 0 : index
    %get3A_34 = arith.constant 0 : index
    %get3A_35 = vector.load %arg4[%get3A_33, %get3A_34] : memref<32x1024xf32, #tpu.memory_space<vmem>>, vector<32x1024xf32>
    %reduce_sum3A_36 = arith.constant dense<0.000000e+00> : vector<1024xf32>
    %reduce_sum3A_37 = vector.multi_reduction <add>, %get3A_35, %reduce_sum3A_36 [0] : vector<32x1024xf32> to vector<1024xf32>
    %broadcast_in_dim3A_38 = vector.shape_cast %reduce_sum3A_37 : vector<1024xf32> to vector<1x1024xf32>
    %sub3A = arith.constant 5.120000e+02 : f32
    %sub3A_39 = vector.broadcast %sub3A : f32 to vector<1x1024xf32>
    %sub3A_40 = arith.subf %sub3A_39, %broadcast_in_dim3A_38 : vector<1x1024xf32>
    %mul3A = arith.constant 5.000000e-01 : f32
    %mul3A_41 = vector.broadcast %mul3A : f32 to vector<1x1024xf32>
    %mul3A_42 = arith.mulf %sub3A_40, %mul3A_41 : vector<1x1024xf32>
    %add3A = arith.addf %broadcast_in_dim3A, %mul3A_42 : vector<1x1024xf32>
    %mul3A_43 = arith.constant 5.000000e-01 : f32
    %mul3A_44 = vector.broadcast %mul3A_43 : f32 to vector<1x1024xf32>
    %mul3A_45 = arith.mulf %add3A, %mul3A_44 : vector<1x1024xf32>
    %floor3A = math.floor %mul3A_45 : vector<1x1024xf32>
    %mul3A_46 = arith.constant 2.000000e+00 : f32
    %mul3A_47 = vector.broadcast %mul3A_46 : f32 to vector<1x1024xf32>
    %mul3A_48 = arith.mulf %mul3A_47, %floor3A : vector<1x1024xf32>
    %sub3A_49 = arith.subf %add3A, %mul3A_48 : vector<1x1024xf32>
    %mul3A_50 = arith.constant 2.000000e+00 : f32
    %mul3A_51 = vector.broadcast %mul3A_50 : f32 to vector<1x1024xf32>
    %mul3A_52 = arith.mulf %mul3A_51, %sub3A_49 : vector<1x1024xf32>
    %sub3A_53 = arith.constant 1.000000e+00 : f32
    %sub3A_54 = vector.broadcast %sub3A_53 : f32 to vector<1x1024xf32>
    %sub3A_55 = arith.subf %sub3A_54, %mul3A_52 : vector<1x1024xf32>
    %eq3A_56 = arith.constant 0.000000e+00 : f32
    %eq3A_57 = vector.broadcast %eq3A_56 : f32 to vector<1x1024xf32>
    %eq3A_58 = arith.cmpf oeq, %broadcast_in_dim3A_32, %eq3A_57 : vector<1x1024xf32>
    %eq3A_59 = arith.constant 1.000000e+00 : f32
    %eq3A_60 = vector.broadcast %eq3A_59 : f32 to vector<1x1024xf32>
    %eq3A_61 = arith.cmpf oeq, %broadcast_in_dim3A_32, %eq3A_60 : vector<1x1024xf32>
    %eq3A_62 = arith.constant 2.000000e+00 : f32
    %eq3A_63 = vector.broadcast %eq3A_62 : f32 to vector<1x1024xf32>
    %eq3A_64 = arith.cmpf oeq, %broadcast_in_dim3A_32, %eq3A_63 : vector<1x1024xf32>
    %eq3A_65 = arith.constant 3.000000e+00 : f32
    %eq3A_66 = vector.broadcast %eq3A_65 : f32 to vector<1x1024xf32>
    %eq3A_67 = arith.cmpf oeq, %broadcast_in_dim3A_32, %eq3A_66 : vector<1x1024xf32>
    %jit3A = arith.constant 2.700000e+01 : f32
    %jit3A_68 = arith.constant 1.000000e+06 : f32
    %broadcast_in_dim3A_69 = vector.broadcast %jit3A : f32 to vector<1x1024xf32>
    %broadcast_in_dim3A_70 = vector.broadcast %jit3A_68 : f32 to vector<1x1024xf32>
    %select_n3A = arith.select %eq3A_67, %broadcast_in_dim3A_69, %broadcast_in_dim3A_70 : vector<1x1024xi1>, vector<1x1024xf32>
    %jit3A_71 = arith.constant 9.000000e+00 : f32
    %broadcast_in_dim3A_72 = vector.broadcast %jit3A_71 : f32 to vector<1x1024xf32>
    %select_n3A_73 = arith.select %eq3A_64, %broadcast_in_dim3A_72, %select_n3A : vector<1x1024xi1>, vector<1x1024xf32>
    %jit3A_74 = arith.constant 3.000000e+00 : f32
    %broadcast_in_dim3A_75 = vector.broadcast %jit3A_74 : f32 to vector<1x1024xf32>
    %select_n3A_76 = arith.select %eq3A_61, %broadcast_in_dim3A_75, %select_n3A_73 : vector<1x1024xi1>, vector<1x1024xf32>
    %jit3A_77 = arith.constant 1.000000e+00 : f32
    %broadcast_in_dim3A_78 = vector.broadcast %jit3A_77 : f32 to vector<1x1024xf32>
    %select_n3A_79 = arith.select %eq3A_58, %broadcast_in_dim3A_78, %select_n3A_76 : vector<1x1024xi1>, vector<1x1024xf32>
    %mul3A_80 = arith.mulf %sub3A_55, %select_n3A_79 : vector<1x1024xf32>
    %get3A_81 = arith.constant 0 : index
    %get3A_82 = arith.constant 0 : index
    %get3A_83 = vector.load %arg2[%get3A_81, %get3A_82] : memref<24x128xf32, #tpu.memory_space<vmem>>, vector<24x1xf32>
    %get3A_84 = arith.constant 0 : index
    %get3A_85 = arith.constant 0 : index
    %get3A_86 = vector.load %arg5[%get3A_84, %get3A_85] : memref<24x1024xf32, #tpu.memory_space<vmem>>, vector<24x1024xf32>
    %mul3A_87 = vector.broadcast %get3A_83 : vector<24x1xf32> to vector<24x1024xf32>
    %mul3A_88 = arith.mulf %mul3A_87, %get3A_86 : vector<24x1024xf32>
    %get3A_89 = arith.constant 0 : index
    %get3A_90 = arith.constant 0 : index
    %get3A_91 = vector.load %arg6[%get3A_89, %get3A_90] : memref<24x1024xf32, #tpu.memory_space<vmem>>, vector<24x1024xf32>
    %add3A_92 = arith.addf %mul3A_88, %get3A_91 : vector<24x1024xf32>
    %cos3A = math.cos %add3A_92 : vector<24x1024xf32>
    %sin3A = math.sin %mul3A_88 : vector<24x1024xf32>
    %mul3A_93 = arith.mulf %cos3A, %sin3A : vector<24x1024xf32>
    %slice3A = vector.extract_strided_slice %mul3A_93 {offsets = [14, 0], sizes = [1, 1024], strides = [1, 1]} : vector<24x1024xf32> to vector<1x1024xf32>
    %slice3A_94 = vector.extract_strided_slice %mul3A_93 {offsets = [11, 0], sizes = [1, 1024], strides = [1, 1]} : vector<24x1024xf32> to vector<1x1024xf32>
    %add3A_95 = arith.addf %slice3A, %slice3A_94 : vector<1x1024xf32>
    %slice3A_96 = vector.extract_strided_slice %mul3A_93 {offsets = [16, 0], sizes = [1, 1024], strides = [1, 1]} : vector<24x1024xf32> to vector<1x1024xf32>
    %mul3A_97 = arith.mulf %add3A_95, %slice3A_96 : vector<1x1024xf32>
    %slice3A_98 = vector.extract_strided_slice %mul3A_93 {offsets = [4, 0], sizes = [1, 1024], strides = [1, 1]} : vector<24x1024xf32> to vector<1x1024xf32>
    %slice3A_99 = vector.extract_strided_slice %mul3A_93 {offsets = [8, 0], sizes = [1, 1024], strides = [1, 1]} : vector<24x1024xf32> to vector<1x1024xf32>
    %add3A_100 = arith.addf %slice3A_98, %slice3A_99 : vector<1x1024xf32>
    %slice3A_101 = vector.extract_strided_slice %mul3A_93 {offsets = [6, 0], sizes = [1, 1024], strides = [1, 1]} : vector<24x1024xf32> to vector<1x1024xf32>
    %add3A_102 = arith.addf %add3A_100, %slice3A_101 : vector<1x1024xf32>
    %slice3A_103 = vector.extract_strided_slice %mul3A_93 {offsets = [1, 0], sizes = [1, 1024], strides = [1, 1]} : vector<24x1024xf32> to vector<1x1024xf32>
    %add3A_104 = arith.addf %add3A_102, %slice3A_103 : vector<1x1024xf32>
    %slice3A_105 = vector.extract_strided_slice %mul3A_93 {offsets = [5, 0], sizes = [1, 1024], strides = [1, 1]} : vector<24x1024xf32> to vector<1x1024xf32>
    %add3A_106 = arith.addf %add3A_104, %slice3A_105 : vector<1x1024xf32>
    %slice3A_107 = vector.extract_strided_slice %mul3A_93 {offsets = [12, 0], sizes = [1, 1024], strides = [1, 1]} : vector<24x1024xf32> to vector<1x1024xf32>
    %add3A_108 = arith.addf %add3A_106, %slice3A_107 : vector<1x1024xf32>
    %slice3A_109 = vector.extract_strided_slice %mul3A_93 {offsets = [17, 0], sizes = [1, 1024], strides = [1, 1]} : vector<24x1024xf32> to vector<1x1024xf32>
    %add3A_110 = arith.addf %add3A_108, %slice3A_109 : vector<1x1024xf32>
    %mul3A_111 = arith.mulf %mul3A_97, %add3A_110 : vector<1x1024xf32>
    %slice3A_112 = vector.extract_strided_slice %mul3A_93 {offsets = [13, 0], sizes = [1, 1024], strides = [1, 1]} : vector<24x1024xf32> to vector<1x1024xf32>
    %mul3A_113 = arith.mulf %mul3A_111, %slice3A_112 : vector<1x1024xf32>
    %slice3A_114 = vector.extract_strided_slice %mul3A_93 {offsets = [15, 0], sizes = [1, 1024], strides = [1, 1]} : vector<24x1024xf32> to vector<1x1024xf32>
    %slice3A_115 = vector.extract_strided_slice %mul3A_93 {offsets = [2, 0], sizes = [1, 1024], strides = [1, 1]} : vector<24x1024xf32> to vector<1x1024xf32>
    %add3A_116 = arith.addf %slice3A_114, %slice3A_115 : vector<1x1024xf32>
    %mul3A_117 = arith.mulf %mul3A_113, %add3A_116 : vector<1x1024xf32>
    %slice3A_118 = vector.extract_strided_slice %mul3A_93 {offsets = [3, 0], sizes = [1, 1024], strides = [1, 1]} : vector<24x1024xf32> to vector<1x1024xf32>
    %mul3A_119 = arith.mulf %mul3A_117, %slice3A_118 : vector<1x1024xf32>
    %slice3A_120 = vector.extract_strided_slice %mul3A_93 {offsets = [0, 0], sizes = [1, 1024], strides = [1, 1]} : vector<24x1024xf32> to vector<1x1024xf32>
    %mul3A_121 = arith.mulf %mul3A_119, %slice3A_120 : vector<1x1024xf32>
    %slice3A_122 = vector.extract_strided_slice %mul3A_93 {offsets = [10, 0], sizes = [1, 1024], strides = [1, 1]} : vector<24x1024xf32> to vector<1x1024xf32>
    %mul3A_123 = arith.mulf %mul3A_121, %slice3A_122 : vector<1x1024xf32>
    %slice3A_124 = vector.extract_strided_slice %mul3A_93 {offsets = [7, 0], sizes = [1, 1024], strides = [1, 1]} : vector<24x1024xf32> to vector<1x1024xf32>
    %mul3A_125 = arith.mulf %mul3A_123, %slice3A_124 : vector<1x1024xf32>
    %slice3A_126 = vector.extract_strided_slice %mul3A_93 {offsets = [9, 0], sizes = [1, 1024], strides = [1, 1]} : vector<24x1024xf32> to vector<1x1024xf32>
    %mul3A_127 = arith.mulf %mul3A_125, %slice3A_126 : vector<1x1024xf32>
    %add3A_128 = arith.addf %mul3A_80, %mul3A_127 : vector<1x1024xf32>
    %gt3A_129 = arith.constant 0.000000e+00 : f32
    %gt3A_130 = vector.broadcast %gt3A_129 : f32 to vector<1x1024xf32>
    %gt3A_131 = arith.cmpf ogt, %add3A_128, %gt3A_130 : vector<1x1024xf32>
    %jit3A_132 = arith.constant 1.000000e+00 : f32
    %jit3A_133 = arith.constant -1.000000e+00 : f32
    %broadcast_in_dim3A_134 = vector.broadcast %jit3A_132 : f32 to vector<1x1024xf32>
    %broadcast_in_dim3A_135 = vector.broadcast %jit3A_133 : f32 to vector<1x1024xf32>
    %select_n3A_136 = arith.select %gt3A_131, %broadcast_in_dim3A_134, %broadcast_in_dim3A_135 : vector<1x1024xi1>, vector<1x1024xf32>
    %gt3A_137 = arith.constant 8.050000e+01 : f32
    %gt3A_138 = vector.broadcast %gt3A_137 : f32 to vector<1x1024xf32>
    %gt3A_139 = arith.cmpf ogt, %broadcast_in_dim3A_32, %gt3A_138 : vector<1x1024xf32>
    %jit3A_140 = arith.constant -1.000000e+00 : f32
    %broadcast_in_dim3A_141 = vector.broadcast %jit3A_140 : f32 to vector<1x1024xf32>
    %select_n3A_142 = arith.select %gt3A_139, %broadcast_in_dim3A_141, %select_n3A_136 : vector<1x1024xi1>, vector<1x1024xf32>
    %swap3A = arith.constant 0 : index
    %swap3A_143 = arith.constant 0 : index
    %swap3A_144 = vector.load %arg7[%swap3A, %swap3A_143] : memref<1x1024xf32, #tpu.memory_space<vmem>>, vector<1x1024xf32>
    tpu.vector_store %arg7[%swap3A, %swap3A_143], %select_n3A_142 {strides = array<i32>} : memref<1x1024xf32, #tpu.memory_space<vmem>>, vector<1x1024xf32>,
    return
  }
  func.func @transform_0(%arg0: i32) -> (i32, i32) {
    %c0_i32 = arith.constant 0 : i32
    %c0_i32_0 = arith.constant 0 : i32
    %c0_i32_1 = arith.constant 0 : i32
    return %c0_i32, %c0_i32_0 : i32, i32
  }
  func.func @transform_1(%arg0: i32) -> (i32, i32) {
    %c0_i32 = arith.constant 0 : i32
    %c0_i32_0 = arith.constant 0 : i32
    %c0_i32_1 = arith.constant 0 : i32
    return %c0_i32, %c0_i32_0 : i32, i32
  }
  func.func @transform_2(%arg0: i32) -> (i32, i32) {
    %c0_i32 = arith.constant 0 : i32
    %c0_i32_0 = arith.constant 0 : i32
    return %c0_i32, %arg0 : i32, i32
  }
  func.func @transform_3(%arg0: i32) -> (i32, i32) {
    %c0_i32 = arith.constant 0 : i32
    %c0_i32_0 = arith.constant 0 : i32
    return %c0_i32, %arg0 : i32, i32
  }
  func.func @transform_4(%arg0: i32) -> (i32, i32) {
    %c0_i32 = arith.constant 0 : i32
    %c0_i32_0 = arith.constant 0 : i32
    return %c0_i32, %arg0 : i32, i32
  }
  func.func @transform_5(%arg0: i32) -> (i32, i32) {
    %c0_i32 = arith.constant 0 : i32
    %c0_i32_0 = arith.constant 0 : i32
    return %c0_i32, %arg0 : i32, i32
  }
  func.func @transform_6(%arg0: i32) -> (i32, i32) {
    %c0_i32 = arith.constant 0 : i32
    %c0_i32_0 = arith.constant 0 : i32
    return %c0_i32, %arg0 : i32, i32
  }
}

</mosaic_0001>

<sc_bundles>
// kernel: kernel.4.cloned.1.call-start
scs
__scs_entry_jumppad:
0x0: {  	(pc) =	sbr.rel $0x88, $3  }
0x1: {  	(tag) =	ssettag $0x0;
	lr =	simm.s32 $0x1  }
0x2: {  	[smem:$0x3F99] =	sst lr;
	_ =	strace $0xD0000000  }
0x3: {  	_ = 	snop  }
0x4: {  	_ = 	snop  }
0x5: {  	_ = 	snop  }
0x6: {  	_ = 	snop  }
0x7: {  	_ = 	snop  }
__scs_overlays_trampoline_lowered:
0x8: {  	[smem:$0x3FA8] =	sst s0  }
0x9: {  	[smem:$0x3FA9] =	sst s1  }
0xa: {  	[smem:$0x3FAA] =	sst s2  }
0xb: {  	[smem:$0x3FAB] =	sst s3  }
0xc: {  	[smem:$0x3FAC] =	sst s4  }
0xd: {  	[smem:$0x3FAD] =	sst s5  }
0xe: {  	[smem:$0x3FAE] =	sst s6  }
0xf: {  	[smem:$0x3FAF] =	sst s7  }
0x10: {  	[smem:$0x3FB0] =	sst s8  }
0x11: {  	[smem:$0x3FB1] =	sst s9;
	s0 =	simm.s32 @!p0 $0x0  }
0x12: {  	s1 =	sld [smem:$0x3F97];
	s0 =	simm.s32 @p0 $0x1  }
0x13: {  	[smem:$0x3FB2] =	sst s0;
	s0 =	simm.s32 @!p1 $0x0  }
0x14: {  	s2 =	sld [smem:$0x3F96];
	s0 =	simm.s32 @p1 $0x1  }
0x15: {  	[smem:$0x3FB3] =	sst s0;
	s0 =	simm.s32 @!p2 $0x0  }
0x16: {  	s3 =	sld [smem:$0x3FDB];
	s0 =	simm.s32 @p2 $0x1  }
0x17: {  	s4 =	simm.s32 $0x1BF5;
	[smem:$0x3FB5] =	sst s0  }
0x18: {  	s0 =	sld [smem:$0x3F98];
	_ =	swait.ge [sflag:s4], $0x0  }
0x19: {  	s7 =	sld [smem:$0x3F99]  }
0x1a: {  	s8 =	sadd.s32 $0xFFFFE003, lr  }
0x1b: {  	s9 =	sadd.s32 $0xFFFFFEF7, lr;
	s5 =	simm.s32 $0xFFFFFFFF;
	p2 =	slt.u32 s8, $0xFFFFF086  }
0x1c: {  	p1 =	slt.u32 s9, $0xF7A;
	s5 =	simm.s32 @!p2 $0x0  }
0x1d: {  	s5 =	simm.s32 @p1 $0x1;
	p0 =	seq.s32 s7, s2  }
0x1e: {  	s7 =	smul.u32 @!p0 $0xF7A, s2;
	p2 =	seq.s32 @!p0 s5, $0x0  }
0x1f: {  	s9 =	smul.u32 $0xF7A, s1;
	s8 =	simm.s32 @!p0 $0x1BF5;
	p2 =	por !p2, p0  }
0x20: {  	[sflag:s8] =	ssyncset.s32 @!p0 $0xFFFFF086;
	s6 =	sadd.s32 @!p0 s3, s7;
	s7 =	simm.s32 @!p0 $0x108  }
0x21: {  	s3 =	sadd.s32 s3, s9;
	s6 =	sadd.s32 @!p0 $0x88, s6;
	s7 =	simm.s32 @p2 $0x1082  }
0x22: {  	[simem:s7], [sflag:s8] =	dma.local @!p0 [hbm:s6], $0xF7A  }
0x23: {  	s9 =	sor.u32 $0xD0000000, s2;
	s6 =	simm.s32 $0x108;
	_ =	swait.ge @!p0 [sflag:s8], $0x0  }
0x24: {  	s3 =	sadd.s32 $0x88, s3;
	s6 =	simm.s32 @!p1 $0x1082;
	[sflag:s4] =	ssyncset.s32 $0xFFFFF086  }
0x25: {  	[simem:s6], [sflag:s4] =	dma.local [hbm:s3], $0xF7A  }
0x26: {  	[smem:$0x3F99] =	sst s1;
	(tag) =	ssettag s2;
	_ =	strace s9  }
0x27: {  	s1 =	sld [smem:$0x3FA9]  }
0x28: {  	s2 =	sld [smem:$0x3FAA]  }
0x29: {  	s4 =	sld [smem:$0x3FAC]  }
0x2a: {  	p0 =	seq.s32 s5, $0x0;
	s5 =	sld [smem:$0x3FAD]  }
0x2b: {  	s6 =	sld [smem:$0x3FAE]  }
0x2c: {  	s7 =	sld [smem:$0x3FAF]  }
0x2d: {  	s3 =	simm.s32 $0x108;
	s8 =	sld [smem:$0x3FB0]  }
0x2e: {  	s3 =	simm.s32 @!p0 $0x1082;
	s9 =	sld [smem:$0x3FB1]  }
0x2f: {  	lr =	sadd.s32 s0, s3;
	s0 =	sld [smem:$0x3FA8]  }
0x30: {  	s3 =	sld [smem:$0x3FAB]  }
0x31: {  	[smem:$0x3FB4] =	sst s10  }
0x32: {  	s10 =	sld [smem:$0x3FB2];
	_ =	sdelay $0x3  }
0x33: {  	p0 =	seq.s32 s10, $0x1;
	s10 =	sld [smem:$0x3FB4];
	_ =	sdelay $0x3  }
0x34: {  	[smem:$0x3FB4] =	sst s10  }
0x35: {  	s10 =	sld [smem:$0x3FB3];
	_ =	sdelay $0x3  }
0x36: {  	p1 =	seq.s32 s10, $0x1;
	s10 =	sld [smem:$0x3FB4];
	_ =	sdelay $0x3  }
0x37: {  	[smem:$0x3FB4] =	sst s10  }
0x38: {  	s10 =	sld [smem:$0x3FB5]  }
0x39: {  	_ = 	snop;
	(pc) =	sbr.ind lr, $3  }
0x3a: {  	_ = 	snop  }
0x3b: {  	_ = 	snop  }
0x3c: {  	p2 =	seq.s32 s10, $0x1;
	s10 =	sld [smem:$0x3FB4]  }
0x3d: {  	_ =	shalt  }
0x3e: {  	_ =	shalt  }
0x3f: {  	_ =	shalt  }
0x40: {  	_ =	shalt  }
0x41: {  	_ =	shalt  }
0x42: {  	_ =	shalt  }
0x43: {  	_ =	shalt  }
0x44: {  	_ =	shalt  }
0x45: {  	_ =	shalt  }
0x46: {  	_ =	shalt  }
0x47: {  	_ =	shalt  }
0x48: {  	_ =	shalt  }
0x49: {  	_ =	shalt  }
0x4a: {  	_ =	shalt  }
0x4b: {  	_ =	shalt  }
0x4c: {  	_ =	shalt  }
0x4d: {  	_ =	shalt  }
0x4e: {  	_ =	shalt  }
0x4f: {  	_ =	shalt  }
0x50: {  	_ =	shalt  }
0x51: {  	_ =	shalt  }
0x52: {  	_ =	shalt  }
0x53: {  	_ =	shalt  }
0x54: {  	_ =	shalt  }
0x55: {  	_ =	shalt  }
0x56: {  	_ =	shalt  }
0x57: {  	_ =	shalt  }
0x58: {  	_ =	shalt  }
0x59: {  	_ =	shalt  }
0x5a: {  	_ =	shalt  }
0x5b: {  	_ =	shalt  }
0x5c: {  	_ =	shalt  }
0x5d: {  	_ =	shalt  }
0x5e: {  	_ =	shalt  }
0x5f: {  	_ =	shalt  }
0x60: {  	_ =	shalt  }
0x61: {  	_ =	shalt  }
0x62: {  	_ =	shalt  }
0x63: {  	_ =	shalt  }
0x64: {  	_ =	shalt  }
0x65: {  	_ =	shalt  }
0x66: {  	_ =	shalt  }
0x67: {  	_ =	shalt  }
0x68: {  	_ =	shalt  }
0x69: {  	_ =	shalt  }
0x6a: {  	_ =	shalt  }
0x6b: {  	_ =	shalt  }
0x6c: {  	_ =	shalt  }
0x6d: {  	_ =	shalt  }
0x6e: {  	_ =	shalt  }
0x6f: {  	_ =	shalt  }
0x70: {  	_ =	shalt  }
0x71: {  	_ =	shalt  }
0x72: {  	_ =	shalt  }
0x73: {  	_ =	shalt  }
0x74: {  	_ =	shalt  }
0x75: {  	_ =	shalt  }
0x76: {  	_ =	shalt  }
0x77: {  	_ =	shalt  }
0x78: {  	_ =	shalt  }
0x79: {  	_ =	shalt  }
0x7a: {  	_ =	shalt  }
0x7b: {  	_ =	shalt  }
0x7c: {  	_ =	shalt  }
0x7d: {  	_ =	shalt  }
0x7e: {  	_ =	shalt  }
0x7f: {  	_ =	shalt  }
0x80: {  	_ =	shalt  }
0x81: {  	_ =	shalt  }
0x82: {  	_ =	shalt  }
0x83: {  	_ =	shalt  }
0x84: {  	_ =	shalt  }
0x85: {  	_ =	shalt  }
0x86: {  	_ =	shalt  }
0x87: {  	_ =	shalt  }
.Lfunc_end0:
.L_simem_size_0:
called_computation_lowered:
.L_overlay_start_0:
0x88: {  	s2 =	sld [smem:$0x3FD9]  }
0x89: {  	s3 =	sld [smem:$0x3FFE];
	_ =	sdelay $0x1  }
0x8a: {  	s1 =	srdreg.scid  }
0x8b: {  	s0 =	sand.u32 $0x1, s1  }
0x8c: {  	s17 =	sshll.u32 s0, $0xA;
	s2 =	sadd.s32 s3, s2  }
0x8d: {  	s2 =	sadd.s32 s2, s17  }
0x8e: {  	[smem:$0x3FC0] =	sst s2  }
0x8f: {  	_ = 	snop  }
0x90: {  	s2 =	sld [smem:$0x3FD0];
	(tm) =	ssettm $0x1  }
0x91: {  	s18 =	sld [smem:$0x3FFB];
	_ =	sdelay $0x3  }
0x92: {  	_ =	strace s18  }
0x93: {  	s3 =	sld [smem:$0x3FFC];
	_ =	sdelay $0x3  }
0x94: {  	_ =	strace s3  }
0x95: {  	s3 =	sld [smem:$0x3FFD];
	_ =	sdelay $0x3  }
0x96: {  	_ =	strace s3  }
0x97: {  	_ =	strace $0x8FFFFFFF  }
0x98: {  	s19 =	sld [smem:$0x3FDB];
	_ =	sdelay $0x1  }
0x99: {  	s4 =	simm.s32 $_scs_section_size  }
0x9a: {  	s5 =	simm.s32 $_size__tile_overlayer_lowered;
	s6 =	simm.s32 $_tile_overlayer_lowered  }
0x9b: {  	s22 =	simm.s32 $0x1BFF;
	s21 =	sshll.u32 s6, $0x1;
	s3 =	sadd.s32 s4, s19  }
0x9c: {  	s7 =	simm.s32 $0x0;
	s20 =	sshll.u32 s5, $0x1;
	s5 =	sadd.s32 s21, s3  }
0x9d: {  	[timem:s7], [sflag:s22] =	dma.local [hbm:s5], s20  }
0x9e: {  	_ =	swait.ge [sflag:s22], s20  }
0x9f: {  	s4 =	ssub.s32 $0x0, s20;
	[sflag:s22] =	ssyncset.done $0x0  }
0xa0: {  	[sflag:s22] =	ssyncadd.s32 s4;
	_ =	sdelay $0x1  }
0xa1: {  	s23 =	simm.s32 $0x1B8B  }
0xa2: {  	_ =	swait.ge [sflag:s23], $0x1  }
0xa3: {  	[sflag:s23] =	ssyncset.done $0x0  }
0xa4: {  	s25 =	simm.s32 $0x1B8E;
	s24 =	sld [smem:$0x3FFE];
	[sflag:s23] =	ssyncadd.s32 $0xFFFFFFFF  }
0xa5: {  	s26 =	simm.s32 $execute0_lowered;
	[smem:$0x3FD2] =	sst s25  }
0xa6: {  	s5 =	sshll.u32 s26, $0x1;
	_ =	strace $0x80000046;
	[dreg:$0x1] =	wrdreg $0xFFFFFFFF  }
0xa7: {  	s28 =	simm.s32 $_size_execute0_lowered;
	s3 =	sadd.s32 s3, s5;
	[dreg:$0x0] =	wrdreg $0x0  }
0xa8: {  	s5 =	sshll.u32 s28, $0x1;
	[dreg:$0x2] =	wrdreg s3  }
0xa9: {  	[dreg:$0x3] =	wrdreg s5  }
0xaa: {  	[dreg:$0x4] =	wrdreg $0xC0  }
0xab: {  	_ =	task [dreg:s7], $0x5FFFF  }
0xac: {  	[dreg:$0x1] =	wrdreg $0xFFFFFFFF  }
0xad: {  	[dreg:$0x0] =	wrdreg $0x60  }
0xae: {  	[dreg:$0x2] =	wrdreg s24  }
0xaf: {  	[dreg:$0x3] =	wrdreg s2  }
0xb0: {  	[dreg:$0x4] =	wrdreg $0x9  }
0xb1: {  	_ =	task.clear_ibuf [dreg:s7], $0x5FFFF;
	_ =	strace $0x90000046  }
0xb2: {  	s29 =	simm.s32 $0x9;
	_ =	strace $0x80000048  }
0xb3: {  	_ =	swait.ge [sflag:s29], $0x1  }
0xb4: {  	[sflag:s29] =	ssyncadd.s32 $0xFFFFFFFF  }
0xb5: {  	_ =	strace $0x90000048  }
0xb6: {  	_ =	sfence  }
0xb7: {  	s30 =	sld [smem:$0x0];
	_ =	sdelay $0x2  }
0xb8: {  	s31 =	sshll.u32 s1, $0xD;
	s1 =	sshrl.u32 s1, $0x2  }
0xb9: {  	s3 =	sand.u32 $0x4000, s31;
	s1 =	sadd.s32 s1, s30  }
0xba: {  	s0 =	sor.u32 s3, s0;
	s1 =	sshll.u32 s1, $0x11  }
0xbb: {  	s0 =	sor.u32 s1, s0  }
0xbc: {  	s0 =	sadd.s32 $0x8F2B, s0  }
0xbd: {  	[sflag:s0] =	ssyncadd.remote.s32 $0x1  }
0xbe: {  	_ =	sfence.sel $0xFFFF  }
0xbf: {  	[dreg:$0x0] =	wrdreg $0xFFFFFFFF;
	(pc) =	sbr.abs _section_cstart, $3  }
0xc0: {  	[dreg:$0x1] =	wrdreg $0xFFFFFFFF  }
0xc1: {  	_ =	task.clear_ibuf [dreg:s7], $0x2FFFF;
	_ =	strace $0x9FFFFFFF  }
0xc2: {  	(tm) =	ssettm $0x7FFFFFFF  }
0xc3: {  	_ =	shalt  }
tec
execute0_lowered:
.L_overlay_start_1:
0x0: {  	(tag) =	ssettag $0x1  }
0x1: {  	s28 =	rddreg [dreg:$0x0]  }
0x2: {  	s4 =	rddreg [dreg:$0x1];
	s3 =	simm.s32 $0x0  }
0x3: {  	[smem:$0x7FF] =	sst s3;
	s26 =	sadd.s32 $0x300, s28  }
0x4: {  	s31 =	sadd.s32 $0x400, s28;
	_ =	strace $0x80000047;
	[dreg:$0x4] =	wrdreg s26  }
0x5: {  	s6 =	sadd.s32 $0x700, s28;
	[dreg:$0x5] =	wrdreg s31  }
0x6: {  	s7 =	sadd.s32 $0x800, s28;
	[dreg:$0x8] =	wrdreg s6  }
0x7: {  	s8 =	sadd.s32 $0x900, s28;
	[dreg:$0x9] =	wrdreg s7  }
0x8: {  	s9 =	sadd.s32 $0xA00, s28;
	[dreg:$0xa] =	wrdreg s8  }
0x9: {  	s10 =	sadd.s32 $0xB00, s28;
	[dreg:$0xb] =	wrdreg s9  }
0xa: {  	s11 =	sadd.s32 $0xC00, s28;
	[dreg:$0xc] =	wrdreg s10  }
0xb: {  	s12 =	sadd.s32 $0xD00, s28;
	[dreg:$0xd] =	wrdreg s11  }
0xc: {  	s13 =	sadd.s32 $0xE00, s28;
	[dreg:$0xe] =	wrdreg s12  }
0xd: {  	s0 =	srdreg.scid;
	s14 =	sadd.s32 $0xF00, s28;
	[dreg:$0xf] =	wrdreg s13  }
0xe: {  	s2 =	stileid.u32;
	s15 =	sadd.s32 $0x1000, s28;
	[dreg:$0x10] =	wrdreg s14  }
0xf: {  	s0 =	sand.u32 $0x1, s0;
	s16 =	sadd.s32 $0x1100, s28;
	[dreg:$0x11] =	wrdreg s15  }
0x10: {  	s1 =	sshll.u32 s2, $0x1;
	s17 =	sadd.s32 $0x1200, s28;
	[dreg:$0x12] =	wrdreg s16  }
0x11: {  	s2 =	sshrl.u32 s2, $0x2;
	s18 =	sadd.s32 $0x1300, s28;
	[dreg:$0x13] =	wrdreg s17  }
0x12: {  	s29 =	sadd.s32 $0x100, s28;
	s20 =	sadd.s32 $0x1400, s28;
	[dreg:$0x14] =	wrdreg s18  }
0x13: {  	s30 =	sadd.s32 $0x200, s28;
	s21 =	sadd.s32 $0x1500, s28;
	[dreg:$0x17] =	wrdreg s20  }
0x14: {  	s22 =	sadd.s32 $0x1600, s28;
	s23 =	sadd.s32 $0x1700, s28;
	[dreg:$0x18] =	wrdreg s21  }
0x15: {  	s24 =	sadd.s32 $0x1800, s28;
	s1 =	sor.u32 s0, s1;
	[dreg:$0x19] =	wrdreg s22  }
0x16: {  	s2 =	smul.u32 $0x13C00, s2;
	s0 =	ssub.s32 $0x2, s0;
	[dreg:$0x1a] =	wrdreg s23  }
0x17: {  	[dreg:$0x1b] =	wrdreg s24;
	s26 =	sadd.s32 $0x1A00, s28;
	s31 =	sadd.s32 $0x1B00, s28  }
0x18: {  	s24 =	sadd.s32 $0x1C00, s28;
	s6 =	sadd.s32 $0x2000, s28;
	s7 =	sadd.s32 $0x2100, s28  }
0x19: {  	s8 =	sadd.s32 $0x2200, s28;
	s9 =	sadd.s32 $0x2300, s28;
	s10 =	sadd.s32 $0x2400, s28  }
0x1a: {  	s11 =	sadd.s32 $0x2500, s28;
	s12 =	sadd.s32 $0x2600, s28;
	s13 =	sadd.s32 $0x2700, s28  }
0x1b: {  	s14 =	simm.s32 $0x2;
	s15 =	simm.s32 $0x1;
	s20 =	simm.s32 $0x13C80  }
0x1c: {  	s16 =	simm.s32 $0x0;
	s5 =	sshll.u32 s1, $0x7;
	[dreg:$0x1d] =	wrdreg s26  }
0x1d: {  	s25 =	sshrl.u32 s0, $0x1;
	s1 =	sshll.u32 s1, $0x1;
	[dreg:$0x1e] =	wrdreg s31  }
0x1e: {  	s5 =	sand.u32 $0x380, s5;
	s0 =	ssub.s32 s0, s25;
	s1 =	sadd.s32 s4, s1  }
0x1f: {  	s4 =	sadd.s32 $0x500, s28;
	s25 =	sadd.s32 $0x1900, s28;
	[dreg:$0x3] =	wrdreg s1  }
0x20: {  	s2 =	sor.u32 s2, s5;
	[dreg:$0x6] =	wrdreg s4;
	s5 =	sadd.s32 $0x600, s28  }
0x21: {  	s0 =	smax.u32 s0, $0x1;
	[dreg:$0x1c] =	wrdreg s25;
	s2 =	sshrl.u32 s2, $0x3  }
0x22: {  	v0 =	vlaneseq.u32;
	s25 =	sadd.s32 $0x1D00, s28;
	[dreg:$0x7] =	wrdreg s5;
	s2 =	sadd.s32 s2, s28  }
0x23: {  	vm0 =	vmmov $0xff;
	v1 =	vshrl.u32 v0, $0x3;
	s1 =	simm.s32 $0x80;
	[dreg:$0x16] =	wrdreg s0;
	s19 =	sadd.s32 $0x9E000, s2  }
0x24: {  	vm1 =	vmmov $0xffff;
	v0 =	vand.u32 $0x7, v0;
	v1 =	vmul.u32 $0x8, v1;
	s5 =	sadd.s32 $0x1F00, s28;
	s2 =	sadd.s32 $0x1E00, s28;
	[dreg:$0x15] =	wrdreg s19  }
.LBB2_1:
0x25: {  	s17 =	rddreg [dreg:$0x3]  }
0x26: {  	[tilespmem:s3], [sflag:$0x2] =	stream.linear.gather [hbm4b:s17+s3], $0x10, $0x38;
	[tilespmem:$0x16400] =	vst v63  }
0x27: {  	_ =	swait.ge [sflag:s14], $0x10  }
0x28: {  	[sflag:s14] =	ssyncset.done $0x0  }
0x29: {  	[sflag:s14] =	ssyncadd.s32 $0xFFFFFFF0  }
0x2a: {  	v2 =	vld.msk [tilespmem:$0x0], $0xff;
	_ =	sdelay $0x4  }
0x2b: {  	v3 =	vshrl.u32 v2, $0x3  }
0x2c: {  	v3 =	vmul.u32 $0x278, v3  }
0x2d: {  	v2 =	vand.u32 $0x7, v2  }
0x2e: {  	v2 =	vor.u32 v2, v3  }
0x2f: {  	v2 =	vperm.xlane v2, v0;
	_ =	sdelay $0x1  }
0x30: {  	v2 =	vadd.s32 v1, v2;
	_ =	sdelay $0x4  }
0x31: {  	[tilespmem:s1], [sflag:$0x1] =	stream.indirect_vreg.gather [hbm4b:s28+s3], $0x80, v2, vm1, $0xb8;
	[tilespmem:$0x16400] =	vst v63  }
0x32: {  	s0 =	simm.s32 $0x880  }
0x33: {  	[tilespmem:s0], [sflag:$0x1] =	stream.indirect_vreg.gather [hbm4b:s29+s3], $0x80, v2, vm1, $0xb8;
	[tilespmem:$0x16400] =	vst v63  }
0x34: {  	s22 =	simm.s32 $0x1080  }
0x35: {  	[tilespmem:s22], [sflag:$0x1] =	stream.indirect_vreg.gather [hbm4b:s30+s3], $0x80, v2, vm1, $0xb8;
	[tilespmem:$0x16400] =	vst v63  }
0x36: {  	s31 =	smov.u32 s28;
	s18 =	simm.s32 $0x1880;
	s23 =	rddreg [dreg:$0x4]  }
0x37: {  	[tilespmem:s18], [sflag:$0x1] =	stream.indirect_vreg.gather [hbm4b:s23+s3], $0x80, v2, vm1, $0xb8;
	[tilespmem:$0x16400] =	vst v63  }
0x38: {  	s26 =	rddreg [dreg:$0x5];
	s1 =	smov.u32 s29;
	s28 =	simm.s32 $0x2080  }
0x39: {  	[tilespmem:s28], [sflag:$0x1] =	stream.indirect_vreg.gather [hbm4b:s26+s3], $0x80, v2, vm1, $0xb8;
	[tilespmem:$0x16400] =	vst v63  }
0x3a: {  	s0 =	smov.u32 s30;
	s29 =	rddreg [dreg:$0x6];
	s30 =	simm.s32 $0x2880  }
0x3b: {  	[tilespmem:s30], [sflag:$0x1] =	stream.indirect_vreg.gather [hbm4b:s29+s3], $0x80, v2, vm1, $0xb8;
	[tilespmem:$0x16400] =	vst v63  }
0x3c: {  	s21 =	simm.s32 $0x3080;
	s19 =	rddreg [dreg:$0x7]  }
0x3d: {  	[tilespmem:s21], [sflag:$0x1] =	stream.indirect_vreg.gather [hbm4b:s19+s3], $0x80, v2, vm1, $0xb8;
	[tilespmem:$0x16400] =	vst v63  }
0x3e: {  	s22 =	rddreg [dreg:$0x8];
	s23 =	simm.s32 $0x3880  }
0x3f: {  	[tilespmem:s23], [sflag:$0x1] =	stream.indirect_vreg.gather [hbm4b:s22+s3], $0x80, v2, vm1, $0xb8;
	[tilespmem:$0x16400] =	vst v63  }
0x40: {  	s26 =	rddreg [dreg:$0x9];
	s28 =	simm.s32 $0x4080  }
0x41: {  	[tilespmem:s28], [sflag:$0x1] =	stream.indirect_vreg.gather [hbm4b:s26+s3], $0x80, v2, vm1, $0xb8;
	[tilespmem:$0x16400] =	vst v63  }
0x42: {  	s29 =	rddreg [dreg:$0xa];
	s30 =	simm.s32 $0x4880  }
0x43: {  	[tilespmem:s30], [sflag:$0x1] =	stream.indirect_vreg.gather [hbm4b:s29+s3], $0x80, v2, vm1, $0xb8;
	[tilespmem:$0x16400] =	vst v63  }
0x44: {  	s19 =	rddreg [dreg:$0xb];
	s21 =	simm.s32 $0x5080  }
0x45: {  	[tilespmem:s21], [sflag:$0x1] =	stream.indirect_vreg.gather [hbm4b:s19+s3], $0x80, v2, vm1, $0xb8;
	[tilespmem:$0x16400] =	vst v63  }
0x46: {  	s22 =	rddreg [dreg:$0xc];
	s23 =	simm.s32 $0x5880  }
0x47: {  	[tilespmem:s23], [sflag:$0x1] =	stream.indirect_vreg.gather [hbm4b:s22+s3], $0x80, v2, vm1, $0xb8;
	[tilespmem:$0x16400] =	vst v63  }
0x48: {  	s26 =	rddreg [dreg:$0xd];
	s28 =	simm.s32 $0x6080  }
0x49: {  	[tilespmem:s28], [sflag:$0x1] =	stream.indirect_vreg.gather [hbm4b:s26+s3], $0x80, v2, vm1, $0xb8;
	[tilespmem:$0x16400] =	vst v63  }
0x4a: {  	s29 =	rddreg [dreg:$0xe];
	s30 =	simm.s32 $0x6880  }
0x4b: {  	[tilespmem:s30], [sflag:$0x1] =	stream.indirect_vreg.gather [hbm4b:s29+s3], $0x80, v2, vm1, $0xb8;
	[tilespmem:$0x16400] =	vst v63  }
0x4c: {  	s19 =	rddreg [dreg:$0xf];
	s21 =	simm.s32 $0x7080  }
0x4d: {  	[tilespmem:s21], [sflag:$0x1] =	stream.indirect_vreg.gather [hbm4b:s19+s3], $0x80, v2, vm1, $0xb8;
	[tilespmem:$0x16400] =	vst v63  }
0x4e: {  	s22 =	rddreg [dreg:$0x10];
	s23 =	simm.s32 $0x7880  }
0x4f: {  	[tilespmem:s23], [sflag:$0x1] =	stream.indirect_vreg.gather [hbm4b:s22+s3], $0x80, v2, vm1, $0xb8;
	[tilespmem:$0x16400] =	vst v63  }
0x50: {  	s26 =	rddreg [dreg:$0x11];
	s28 =	simm.s32 $0x8080  }
0x51: {  	[tilespmem:s28], [sflag:$0x1] =	stream.indirect_vreg.gather [hbm4b:s26+s3], $0x80, v2, vm1, $0xb8;
	[tilespmem:$0x16400] =	vst v63  }
0x52: {  	s29 =	rddreg [dreg:$0x12];
	s30 =	simm.s32 $0x8880  }
0x53: {  	[tilespmem:s30], [sflag:$0x1] =	stream.indirect_vreg.gather [hbm4b:s29+s3], $0x80, v2, vm1, $0xb8;
	[tilespmem:$0x16400] =	vst v63  }
0x54: {  	s19 =	rddreg [dreg:$0x13];
	s21 =	simm.s32 $0x9080  }
0x55: {  	[tilespmem:s21], [sflag:$0x1] =	stream.indirect_vreg.gather [hbm4b:s19+s3], $0x80, v2, vm1, $0xb8;
	[tilespmem:$0x16400] =	vst v63  }
0x56: {  	s22 =	rddreg [dreg:$0x14];
	s23 =	simm.s32 $0x9880  }
0x57: {  	[tilespmem:s23], [sflag:$0x1] =	stream.indirect_vreg.gather [hbm4b:s22+s3], $0x80, v2, vm1, $0xb8;
	[tilespmem:$0x16400] =	vst v63  }
0x58: {  	s26 =	rddreg [dreg:$0x17];
	s28 =	simm.s32 $0xA080  }
0x59: {  	[tilespmem:s28], [sflag:$0x1] =	stream.indirect_vreg.gather [hbm4b:s26+s3], $0x80, v2, vm1, $0xb8;
	[tilespmem:$0x16400] =	vst v63  }
0x5a: {  	s29 =	rddreg [dreg:$0x18];
	s30 =	simm.s32 $0xA880  }
0x5b: {  	[tilespmem:s30], [sflag:$0x1] =	stream.indirect_vreg.gather [hbm4b:s29+s3], $0x80, v2, vm1, $0xb8;
	[tilespmem:$0x16400] =	vst v63  }
0x5c: {  	s19 =	rddreg [dreg:$0x19];
	s21 =	simm.s32 $0xB080  }
0x5d: {  	[tilespmem:s21], [sflag:$0x1] =	stream.indirect_vreg.gather [hbm4b:s19+s3], $0x80, v2, vm1, $0xb8;
	[tilespmem:$0x16400] =	vst v63  }
0x5e: {  	s22 =	rddreg [dreg:$0x1a];
	s23 =	simm.s32 $0xB880  }
0x5f: {  	[tilespmem:s23], [sflag:$0x1] =	stream.indirect_vreg.gather [hbm4b:s22+s3], $0x80, v2, vm1, $0xb8;
	[tilespmem:$0x16400] =	vst v63  }
0x60: {  	s26 =	rddreg [dreg:$0x1b];
	s28 =	simm.s32 $0xC080  }
0x61: {  	[tilespmem:s28], [sflag:$0x1] =	stream.indirect_vreg.gather [hbm4b:s26+s3], $0x80, v2, vm1, $0xb8;
	[tilespmem:$0x16400] =	vst v63  }
0x62: {  	s29 =	rddreg [dreg:$0x1c];
	s30 =	simm.s32 $0xC880  }
0x63: {  	[tilespmem:s30], [sflag:$0x1] =	stream.indirect_vreg.gather [hbm4b:s29+s3], $0x80, v2, vm1, $0xb8;
	[tilespmem:$0x16400] =	vst v63  }
0x64: {  	s18 =	rddreg [dreg:$0x1d];
	s19 =	simm.s32 $0xD080  }
0x65: {  	[tilespmem:s19], [sflag:$0x1] =	stream.indirect_vreg.gather [hbm4b:s18+s3], $0x80, v2, vm1, $0xb8;
	[tilespmem:$0x16400] =	vst v63  }
0x66: {  	s21 =	rddreg [dreg:$0x1e];
	s22 =	simm.s32 $0xD880  }
0x67: {  	[tilespmem:s22], [sflag:$0x1] =	stream.indirect_vreg.gather [hbm4b:s21+s3], $0x80, v2, vm1, $0xb8;
	[tilespmem:$0x16400] =	vst v63  }
0x68: {  	s23 =	simm.s32 $0xE080  }
0x69: {  	[tilespmem:s23], [sflag:$0x1] =	stream.indirect_vreg.gather [hbm4b:s24+s3], $0x80, v2, vm1, $0xb8;
	[tilespmem:$0x16400] =	vst v63  }
0x6a: {  	s26 =	simm.s32 $0xE880  }
0x6b: {  	[tilespmem:s26], [sflag:$0x1] =	stream.indirect_vreg.gather [hbm4b:s25+s3], $0x80, v2, vm1, $0xb8;
	[tilespmem:$0x16400] =	vst v63  }
0x6c: {  	s28 =	simm.s32 $0xF080  }
0x6d: {  	[tilespmem:s28], [sflag:$0x1] =	stream.indirect_vreg.gather [hbm4b:s2+s3], $0x80, v2, vm1, $0xb8;
	[tilespmem:$0x16400] =	vst v63  }
0x6e: {  	s29 =	simm.s32 $0xF880  }
0x6f: {  	[tilespmem:s29], [sflag:$0x1] =	stream.indirect_vreg.gather [hbm4b:s5+s3], $0x80, v2, vm1, $0xb8;
	[tilespmem:$0x16400] =	vst v63  }
0x70: {  	s30 =	simm.s32 $0x10080  }
0x71: {  	[tilespmem:s30], [sflag:$0x1] =	stream.indirect_vreg.gather [hbm4b:s6+s3], $0x80, v2, vm1, $0xb8;
	[tilespmem:$0x16400] =	vst v63  }
0x72: {  	s18 =	simm.s32 $0x10880  }
0x73: {  	[tilespmem:s18], [sflag:$0x1] =	stream.indirect_vreg.gather [hbm4b:s7+s3], $0x80, v2, vm1, $0xb8;
	[tilespmem:$0x16400] =	vst v63  }
0x74: {  	s19 =	simm.s32 $0x11080  }
0x75: {  	[tilespmem:s19], [sflag:$0x1] =	stream.indirect_vreg.gather [hbm4b:s8+s3], $0x80, v2, vm1, $0xb8;
	[tilespmem:$0x16400] =	vst v63  }
0x76: {  	s21 =	simm.s32 $0x11880  }
0x77: {  	[tilespmem:s21], [sflag:$0x1] =	stream.indirect_vreg.gather [hbm4b:s9+s3], $0x80, v2, vm1, $0xb8;
	[tilespmem:$0x16400] =	vst v63  }
0x78: {  	s22 =	simm.s32 $0x12080  }
0x79: {  	[tilespmem:s22], [sflag:$0x1] =	stream.indirect_vreg.gather [hbm4b:s10+s3], $0x80, v2, vm1, $0xb8;
	[tilespmem:$0x16400] =	vst v63  }
0x7a: {  	s23 =	simm.s32 $0x12880  }
0x7b: {  	[tilespmem:s23], [sflag:$0x1] =	stream.indirect_vreg.gather [hbm4b:s11+s3], $0x80, v2, vm1, $0xb8;
	[tilespmem:$0x16400] =	vst v63  }
0x7c: {  	s26 =	simm.s32 $0x13080  }
0x7d: {  	[tilespmem:s26], [sflag:$0x1] =	stream.indirect_vreg.gather [hbm4b:s12+s3], $0x80, v2, vm1, $0xb8;
	[tilespmem:$0x16400] =	vst v63  }
0x7e: {  	s28 =	simm.s32 $0x13880  }
0x7f: {  	[tilespmem:s28], [sflag:$0x1] =	stream.indirect_vreg.gather [hbm4b:s13+s3], $0x80, v2, vm0, $0xb8;
	[tilespmem:$0x16400] =	vst v63  }
0x80: {  	s29 =	sand.u32 $0xFFFFFC00, s3;
	_ =	swait.ge [sflag:s15], $0x13C00  }
0x81: {  	s17 =	sor.u32 $0x80, s29;
	s30 =	sand.u32 $0x60, s3;
	[sflag:s15] =	ssyncset.done $0x0  }
0x82: {  	s19 =	sor.u32 s30, s17;
	[sflag:s15] =	ssyncadd.s32 $0xFFFEC400  }
0x83: {  	v2 =	vld [tilespmem:s19+$0x0]  }
0x84: {  	v3 =	vld [tilespmem:s19+$0x80];
	_ =	sdelay $0x1  }
0x85: {  	v4 =	vld [tilespmem:s19+$0x100];
	_ =	sdelay $0x1  }
0x86: {  	v5 =	vld [tilespmem:s19+$0x180]  }
0x87: {  	v2 =	vadd.f32 v3, v2  }
0x88: {  	v3 =	vld [tilespmem:s19+$0x200]  }
0x89: {  	v2 =	vadd.f32 v4, v2  }
0x8a: {  	v4 =	vld [tilespmem:s19+$0x280]  }
0x8b: {  	v2 =	vadd.f32 v5, v2  }
0x8c: {  	v5 =	vld [tilespmem:s19+$0x300]  }
0x8d: {  	v2 =	vadd.f32 v3, v2  }
0x8e: {  	v3 =	vld [tilespmem:s19+$0x380]  }
0x8f: {  	v2 =	vadd.f32 v4, v2;
	_ =	sdelay $0x1  }
0x90: {  	v2 =	vadd.f32 v5, v2;
	_ =	sdelay $0x1  }
0x91: {  	v2 =	vadd.f32 v3, v2  }
0x92: {  	s26 =	sor.u32 $0x10, s30  }
0x93: {  	s18 =	sor.u32 s26, s17;
	[tilespmem:s20+$0x0] =	vst v2  }
0x94: {  	v2 =	vld [tilespmem:s18+$0x0]  }
0x95: {  	v3 =	vld [tilespmem:s18+$0x80];
	_ =	sdelay $0x1  }
0x96: {  	v4 =	vld [tilespmem:s18+$0x100];
	_ =	sdelay $0x1  }
0x97: {  	v5 =	vld [tilespmem:s18+$0x180]  }
0x98: {  	v2 =	vadd.f32 v3, v2  }
0x99: {  	v3 =	vld [tilespmem:s18+$0x200]  }
0x9a: {  	v2 =	vadd.f32 v4, v2  }
0x9b: {  	v4 =	vld [tilespmem:s18+$0x280]  }
0x9c: {  	v2 =	vadd.f32 v5, v2;
	_ =	sdelay $0x1  }
0x9d: {  	v5 =	vld [tilespmem:s18+$0x300];
	v2 =	vadd.f32 v3, v2;
	_ =	sdelay $0x1  }
0x9e: {  	v3 =	vadd.f32 v4, v2;
	v2 =	vld [tilespmem:s18+$0x380]  }
0x9f: {  	s4 =	simm.s32 $0x80;
	s22 =	simm.s32 $0x20  }
0xa0: {  	s21 =	simm.s32 $0x40;
	s23 =	simm.s32 $0x100;
	s17 =	sand.u32 $0x7FFFFF80, s22  }
0xa1: {  	s19 =	sand.u32 $0x7FFFFF80, s3;
	s20 =	simm.s32 $0x2;
	s18 =	simm.s32 $0x13CA0;
	v3 =	vadd.f32 v5, v3  }
.LBB2_2:
0xa2: {  	s28 =	sand.u32 $0x7FFFFF80, s21;
	s20 =	sadd.s32 $0x2, s20;
	s29 =	sand.u32 $0xFFFFFC00, s23  }
0xa3: {  	s30 =	sand.u32 $0x60, s22;
	s22 =	sor.u32 s26, s19;
	s29 =	sor.u32 $0x80, s29;
	v2 =	vadd.f32 v2, v3  }
0xa4: {  	s19 =	smov.u32 s17;
	p0 =	slt.u32 s20, $0x276;
	s26 =	sor.u32 s30, s29  }
0xa5: {  	s17 =	smov.u32 s28;
	[tilespmem:s22+$0x13C80] =	vst v2;
	s22 =	smov.u32 s21  }
0xa6: {  	v2 =	vld [tilespmem:s26+$0x0]  }
0xa7: {  	v3 =	vld [tilespmem:s26+$0x80];
	_ =	sdelay $0x1  }
0xa8: {  	v4 =	vld [tilespmem:s26+$0x100];
	_ =	sdelay $0x1  }
0xa9: {  	v5 =	vld [tilespmem:s26+$0x180]  }
0xaa: {  	v2 =	vadd.f32 v3, v2  }
0xab: {  	v3 =	vld [tilespmem:s26+$0x200]  }
0xac: {  	v2 =	vadd.f32 v4, v2  }
0xad: {  	v4 =	vld [tilespmem:s26+$0x280]  }
0xae: {  	v2 =	vadd.f32 v5, v2  }
0xaf: {  	v5 =	vld [tilespmem:s26+$0x300]  }
0xb0: {  	v2 =	vadd.f32 v3, v2  }
0xb1: {  	v3 =	vld [tilespmem:s26+$0x380]  }
0xb2: {  	v2 =	vadd.f32 v4, v2;
	_ =	sdelay $0x1  }
0xb3: {  	v2 =	vadd.f32 v5, v2;
	_ =	sdelay $0x1  }
0xb4: {  	v2 =	vadd.f32 v3, v2  }
0xb5: {  	s26 =	sor.u32 $0x10, s30  }
0xb6: {  	s28 =	sor.u32 s26, s29;
	[tilespmem:s18+$0x0] =	vst v2  }
0xb7: {  	v2 =	vld [tilespmem:s28+$0x0]  }
0xb8: {  	v3 =	vld [tilespmem:s28+$0x80];
	_ =	sdelay $0x1  }
0xb9: {  	v4 =	vld [tilespmem:s28+$0x100]  }
0xba: {  	v5 =	vld [tilespmem:s28+$0x180];
	_ =	sdelay $0x1  }
0xbb: {  	v2 =	vadd.f32 v3, v2;
	v3 =	vld [tilespmem:s28+$0x200];
	_ =	sdelay $0x1  }
0xbc: {  	v2 =	vadd.f32 v4, v2;
	v4 =	vld [tilespmem:s28+$0x280];
	_ =	sdelay $0x1  }
0xbd: {  	v2 =	vadd.f32 v5, v2;
	v5 =	vld [tilespmem:s28+$0x300];
	_ =	sdelay $0x1  }
.Ltmp0:
0xbe: {  	v3 =	vadd.f32 v3, v2;
	v2 =	vld [tilespmem:s28+$0x380];
	(pc) =	sbr.rel @p0 .LBB2_2-.Ltmp0, $3  }
0xbf: {  	_ = 	snop  }
0xc0: {  	v3 =	vadd.f32 v4, v3;
	_ =	sdelay $0x1  }
0xc1: {  	s23 =	sadd.s32 $0x100, s23;
	s21 =	sadd.s32 $0x20, s21;
	s18 =	sadd.s32 $0x20, s18;
	v3 =	vadd.f32 v5, v3  }
0xc2: {  	_ = 	snop  }
0xc3: {  	s20 =	sand.u32 $0xFFFFFC00, s23;
	v2 =	vadd.f32 v2, v3  }
0xc4: {  	s19 =	sor.u32 s26, s19;
	s21 =	sand.u32 $0x60, s22;
	s20 =	sor.u32 $0x80, s20  }
0xc5: {  	s22 =	sor.u32 s21, s20;
	[tilespmem:s19+$0x13C80] =	vst v2  }
0xc6: {  	v2 =	vld [tilespmem:s22+$0x0]  }
0xc7: {  	v3 =	vld [tilespmem:s22+$0x80];
	_ =	sdelay $0x1  }
0xc8: {  	v4 =	vld [tilespmem:s22+$0x100];
	_ =	sdelay $0x1  }
0xc9: {  	v5 =	vld [tilespmem:s22+$0x180]  }
0xca: {  	v2 =	vadd.f32 v3, v2  }
0xcb: {  	v3 =	vld [tilespmem:s22+$0x200]  }
0xcc: {  	v2 =	vadd.f32 v4, v2  }
0xcd: {  	v4 =	vld [tilespmem:s22+$0x280]  }
0xce: {  	v2 =	vadd.f32 v5, v2  }
0xcf: {  	v5 =	vld [tilespmem:s22+$0x300]  }
0xd0: {  	v2 =	vadd.f32 v3, v2  }
0xd1: {  	v3 =	vld [tilespmem:s22+$0x380]  }
0xd2: {  	v2 =	vadd.f32 v4, v2;
	_ =	sdelay $0x1  }
0xd3: {  	v2 =	vadd.f32 v5, v2;
	_ =	sdelay $0x1  }
0xd4: {  	v2 =	vadd.f32 v3, v2  }
0xd5: {  	s23 =	sor.u32 $0x10, s21  }
0xd6: {  	s26 =	sor.u32 s23, s20;
	[tilespmem:s18+$0x0] =	vst v2  }
0xd7: {  	v2 =	vld [tilespmem:s26+$0x0]  }
0xd8: {  	v3 =	vld [tilespmem:s26+$0x80];
	_ =	sdelay $0x1  }
0xd9: {  	v4 =	vld [tilespmem:s26+$0x100];
	_ =	sdelay $0x1  }
0xda: {  	v5 =	vld [tilespmem:s26+$0x180]  }
0xdb: {  	v2 =	vadd.f32 v3, v2  }
0xdc: {  	v3 =	vld [tilespmem:s26+$0x200]  }
0xdd: {  	v2 =	vadd.f32 v4, v2  }
0xde: {  	v4 =	vld [tilespmem:s26+$0x280]  }
0xdf: {  	v2 =	vadd.f32 v5, v2  }
0xe0: {  	v5 =	vld [tilespmem:s26+$0x300]  }
0xe1: {  	v2 =	vadd.f32 v3, v2  }
0xe2: {  	v3 =	vld [tilespmem:s26+$0x380]  }
0xe3: {  	v2 =	vadd.f32 v4, v2;
	_ =	sdelay $0x1  }
0xe4: {  	v2 =	vadd.f32 v5, v2;
	_ =	sdelay $0x1  }
0xe5: {  	v2 =	vadd.f32 v3, v2  }
0xe6: {  	s17 =	sor.u32 s23, s17  }
0xe7: {  	[tilespmem:s17+$0x13C80] =	vst v2  }
0xe8: {  	v2 =	vld.msk [tilespmem:$0x8], $0xff;
	_ =	sdelay $0x4  }
0xe9: {  	v3 =	vshrl.u32 v2, $0x3  }
0xea: {  	v3 =	vmul.u32 $0x278, v3  }
0xeb: {  	v2 =	vand.u32 $0x7, v2  }
0xec: {  	v2 =	vor.u32 v2, v3  }
0xed: {  	v2 =	vperm.xlane v2, v0;
	_ =	sdelay $0x1  }
0xee: {  	v2 =	vadd.s32 v1, v2;
	_ =	sdelay $0x3  }
0xef: {  	s17 =	simm.s32 $0x0  }
0xf0: {  	[tilespmem:s4], [sflag:$0x1] =	stream.indirect_vreg.gather [hbm4b:s31+s17], $0x80, v2, vm1, $0xb8;
	[tilespmem:$0x16400] =	vst v63  }
0xf1: {  	s28 =	smov.u32 s31;
	s29 =	smov.u32 s1;
	s31 =	simm.s32 $0x880  }
0xf2: {  	[tilespmem:s31], [sflag:$0x1] =	stream.indirect_vreg.gather [hbm4b:s29+s17], $0x80, v2, vm1, $0xb8;
	[tilespmem:$0x16400] =	vst v63  }
0xf3: {  	s30 =	smov.u32 s0;
	s4 =	simm.s32 $0x1080  }
0xf4: {  	[tilespmem:s4], [sflag:$0x1] =	stream.indirect_vreg.gather [hbm4b:s30+s17], $0x80, v2, vm1, $0xb8;
	[tilespmem:$0x16400] =	vst v63  }
0xf5: {  	s19 =	simm.s32 $0x1880;
	s18 =	rddreg [dreg:$0x4]  }
0xf6: {  	[tilespmem:s19], [sflag:$0x1] =	stream.indirect_vreg.gather [hbm4b:s18+s17], $0x80, v2, vm1, $0xb8;
	[tilespmem:$0x16400] =	vst v63  }
0xf7: {  	s20 =	rddreg [dreg:$0x5];
	s21 =	simm.s32 $0x2080  }
0xf8: {  	[tilespmem:s21], [sflag:$0x1] =	stream.indirect_vreg.gather [hbm4b:s20+s17], $0x80, v2, vm1, $0xb8;
	[tilespmem:$0x16400] =	vst v63  }
0xf9: {  	s23 =	simm.s32 $0x2880;
	s22 =	rddreg [dreg:$0x6]  }
0xfa: {  	[tilespmem:s23], [sflag:$0x1] =	stream.indirect_vreg.gather [hbm4b:s22+s17], $0x80, v2, vm1, $0xb8;
	[tilespmem:$0x16400] =	vst v63  }
0xfb: {  	s26 =	rddreg [dreg:$0x7];
	s31 =	simm.s32 $0x3080  }
0xfc: {  	[tilespmem:s31], [sflag:$0x1] =	stream.indirect_vreg.gather [hbm4b:s26+s17], $0x80, v2, vm1, $0xb8;
	[tilespmem:$0x16400] =	vst v63  }
0xfd: {  	s1 =	rddreg [dreg:$0x8];
	s4 =	simm.s32 $0x3880  }
0xfe: {  	[tilespmem:s4], [sflag:$0x1] =	stream.indirect_vreg.gather [hbm4b:s1+s17], $0x80, v2, vm1, $0xb8;
	[tilespmem:$0x16400] =	vst v63  }
0xff: {  	s18 =	rddreg [dreg:$0x9];
	s19 =	simm.s32 $0x4080  }
0x100: {  	[tilespmem:s19], [sflag:$0x1] =	stream.indirect_vreg.gather [hbm4b:s18+s17], $0x80, v2, vm1, $0xb8;
	[tilespmem:$0x16400] =	vst v63  }
0x101: {  	s20 =	rddreg [dreg:$0xa];
	s21 =	simm.s32 $0x4880  }
0x102: {  	[tilespmem:s21], [sflag:$0x1] =	stream.indirect_vreg.gather [hbm4b:s20+s17], $0x80, v2, vm1, $0xb8;
	[tilespmem:$0x16400] =	vst v63  }
0x103: {  	s22 =	rddreg [dreg:$0xb];
	s23 =	simm.s32 $0x5080  }
0x104: {  	[tilespmem:s23], [sflag:$0x1] =	stream.indirect_vreg.gather [hbm4b:s22+s17], $0x80, v2, vm1, $0xb8;
	[tilespmem:$0x16400] =	vst v63  }
0x105: {  	s26 =	rddreg [dreg:$0xc];
	s31 =	simm.s32 $0x5880  }
0x106: {  	[tilespmem:s31], [sflag:$0x1] =	stream.indirect_vreg.gather [hbm4b:s26+s17], $0x80, v2, vm1, $0xb8;
	[tilespmem:$0x16400] =	vst v63  }
0x107: {  	s1 =	rddreg [dreg:$0xd];
	s4 =	simm.s32 $0x6080  }
0x108: {  	[tilespmem:s4], [sflag:$0x1] =	stream.indirect_vreg.gather [hbm4b:s1+s17], $0x80, v2, vm1, $0xb8;
	[tilespmem:$0x16400] =	vst v63  }
0x109: {  	s18 =	rddreg [dreg:$0xe];
	s19 =	simm.s32 $0x6880  }
0x10a: {  	[tilespmem:s19], [sflag:$0x1] =	stream.indirect_vreg.gather [hbm4b:s18+s17], $0x80, v2, vm1, $0xb8;
	[tilespmem:$0x16400] =	vst v63  }
0x10b: {  	s20 =	rddreg [dreg:$0xf];
	s21 =	simm.s32 $0x7080  }
0x10c: {  	[tilespmem:s21], [sflag:$0x1] =	stream.indirect_vreg.gather [hbm4b:s20+s17], $0x80, v2, vm1, $0xb8;
	[tilespmem:$0x16400] =	vst v63  }
0x10d: {  	s22 =	rddreg [dreg:$0x10];
	s23 =	simm.s32 $0x7880  }
0x10e: {  	[tilespmem:s23], [sflag:$0x1] =	stream.indirect_vreg.gather [hbm4b:s22+s17], $0x80, v2, vm1, $0xb8;
	[tilespmem:$0x16400] =	vst v63  }
0x10f: {  	s26 =	rddreg [dreg:$0x11];
	s31 =	simm.s32 $0x8080  }
0x110: {  	[tilespmem:s31], [sflag:$0x1] =	stream.indirect_vreg.gather [hbm4b:s26+s17], $0x80, v2, vm1, $0xb8;
	[tilespmem:$0x16400] =	vst v63  }
0x111: {  	s1 =	rddreg [dreg:$0x12];
	s4 =	simm.s32 $0x8880  }
0x112: {  	[tilespmem:s4], [sflag:$0x1] =	stream.indirect_vreg.gather [hbm4b:s1+s17], $0x80, v2, vm1, $0xb8;
	[tilespmem:$0x16400] =	vst v63  }
0x113: {  	s18 =	rddreg [dreg:$0x13];
	s19 =	simm.s32 $0x9080  }
0x114: {  	[tilespmem:s19], [sflag:$0x1] =	stream.indirect_vreg.gather [hbm4b:s18+s17], $0x80, v2, vm1, $0xb8;
	[tilespmem:$0x16400] =	vst v63  }
0x115: {  	s20 =	rddreg [dreg:$0x14];
	s21 =	simm.s32 $0x9880  }
0x116: {  	[tilespmem:s21], [sflag:$0x1] =	stream.indirect_vreg.gather [hbm4b:s20+s17], $0x80, v2, vm1, $0xb8;
	[tilespmem:$0x16400] =	vst v63  }
0x117: {  	s22 =	rddreg [dreg:$0x17];
	s23 =	simm.s32 $0xA080  }
0x118: {  	[tilespmem:s23], [sflag:$0x1] =	stream.indirect_vreg.gather [hbm4b:s22+s17], $0x80, v2, vm1, $0xb8;
	[tilespmem:$0x16400] =	vst v63  }
0x119: {  	s26 =	rddreg [dreg:$0x18];
	s31 =	simm.s32 $0xA880  }
0x11a: {  	[tilespmem:s31], [sflag:$0x1] =	stream.indirect_vreg.gather [hbm4b:s26+s17], $0x80, v2, vm1, $0xb8;
	[tilespmem:$0x16400] =	vst v63  }
0x11b: {  	s1 =	rddreg [dreg:$0x19];
	s4 =	simm.s32 $0xB080  }
0x11c: {  	[tilespmem:s4], [sflag:$0x1] =	stream.indirect_vreg.gather [hbm4b:s1+s17], $0x80, v2, vm1, $0xb8;
	[tilespmem:$0x16400] =	vst v63  }
0x11d: {  	s18 =	rddreg [dreg:$0x1a];
	s19 =	simm.s32 $0xB880  }
0x11e: {  	[tilespmem:s19], [sflag:$0x1] =	stream.indirect_vreg.gather [hbm4b:s18+s17], $0x80, v2, vm1, $0xb8;
	[tilespmem:$0x16400] =	vst v63  }
0x11f: {  	s20 =	rddreg [dreg:$0x1b];
	s21 =	simm.s32 $0xC080  }
0x120: {  	[tilespmem:s21], [sflag:$0x1] =	stream.indirect_vreg.gather [hbm4b:s20+s17], $0x80, v2, vm1, $0xb8;
	[tilespmem:$0x16400] =	vst v63  }
0x121: {  	s22 =	rddreg [dreg:$0x1c];
	s23 =	simm.s32 $0xC880  }
0x122: {  	[tilespmem:s23], [sflag:$0x1] =	stream.indirect_vreg.gather [hbm4b:s22+s17], $0x80, v2, vm1, $0xb8;
	[tilespmem:$0x16400] =	vst v63  }
0x123: {  	s26 =	rddreg [dreg:$0x1d];
	s31 =	simm.s32 $0xD080  }
0x124: {  	[tilespmem:s31], [sflag:$0x1] =	stream.indirect_vreg.gather [hbm4b:s26+s17], $0x80, v2, vm1, $0xb8;
	[tilespmem:$0x16400] =	vst v63  }
0x125: {  	s4 =	rddreg [dreg:$0x1e];
	s18 =	simm.s32 $0xD880  }
0x126: {  	[tilespmem:s18], [sflag:$0x1] =	stream.indirect_vreg.gather [hbm4b:s4+s17], $0x80, v2, vm1, $0xb8;
	[tilespmem:$0x16400] =	vst v63  }
0x127: {  	s19 =	simm.s32 $0xE080  }
0x128: {  	[tilespmem:s19], [sflag:$0x1] =	stream.indirect_vreg.gather [hbm4b:s24+s17], $0x80, v2, vm1, $0xb8;
	[tilespmem:$0x16400] =	vst v63  }
0x129: {  	s20 =	simm.s32 $0xE880  }
0x12a: {  	[tilespmem:s20], [sflag:$0x1] =	stream.indirect_vreg.gather [hbm4b:s25+s17], $0x80, v2, vm1, $0xb8;
	[tilespmem:$0x16400] =	vst v63  }
0x12b: {  	s21 =	simm.s32 $0xF080  }
0x12c: {  	[tilespmem:s21], [sflag:$0x1] =	stream.indirect_vreg.gather [hbm4b:s2+s17], $0x80, v2, vm1, $0xb8;
	[tilespmem:$0x16400] =	vst v63  }
0x12d: {  	s22 =	simm.s32 $0xF880  }
0x12e: {  	[tilespmem:s22], [sflag:$0x1] =	stream.indirect_vreg.gather [hbm4b:s5+s17], $0x80, v2, vm1, $0xb8;
	[tilespmem:$0x16400] =	vst v63  }
0x12f: {  	s23 =	simm.s32 $0x10080  }
0x130: {  	[tilespmem:s23], [sflag:$0x1] =	stream.indirect_vreg.gather [hbm4b:s6+s17], $0x80, v2, vm1, $0xb8;
	[tilespmem:$0x16400] =	vst v63  }
0x131: {  	s26 =	simm.s32 $0x10880  }
0x132: {  	[tilespmem:s26], [sflag:$0x1] =	stream.indirect_vreg.gather [hbm4b:s7+s17], $0x80, v2, vm1, $0xb8;
	[tilespmem:$0x16400] =	vst v63  }
0x133: {  	s31 =	simm.s32 $0x11080  }
0x134: {  	[tilespmem:s31], [sflag:$0x1] =	stream.indirect_vreg.gather [hbm4b:s8+s17], $0x80, v2, vm1, $0xb8;
	[tilespmem:$0x16400] =	vst v63  }
0x135: {  	s1 =	simm.s32 $0x11880  }
0x136: {  	[tilespmem:s1], [sflag:$0x1] =	stream.indirect_vreg.gather [hbm4b:s9+s17], $0x80, v2, vm1, $0xb8;
	[tilespmem:$0x16400] =	vst v63  }
0x137: {  	s4 =	simm.s32 $0x12080  }
0x138: {  	[tilespmem:s4], [sflag:$0x1] =	stream.indirect_vreg.gather [hbm4b:s10+s17], $0x80, v2, vm1, $0xb8;
	[tilespmem:$0x16400] =	vst v63  }
0x139: {  	s18 =	simm.s32 $0x12880  }
0x13a: {  	[tilespmem:s18], [sflag:$0x1] =	stream.indirect_vreg.gather [hbm4b:s11+s17], $0x80, v2, vm1, $0xb8;
	[tilespmem:$0x16400] =	vst v63  }
0x13b: {  	s19 =	simm.s32 $0x13080  }
0x13c: {  	[tilespmem:s19], [sflag:$0x1] =	stream.indirect_vreg.gather [hbm4b:s12+s17], $0x80, v2, vm1, $0xb8;
	[tilespmem:$0x16400] =	vst v63  }
0x13d: {  	s20 =	simm.s32 $0x13880  }
0x13e: {  	[tilespmem:s20], [sflag:$0x1] =	stream.indirect_vreg.gather [hbm4b:s13+s17], $0x80, v2, vm0, $0xb8;
	[tilespmem:$0x16400] =	vst v63  }
0x13f: {  	s21 =	sand.u32 $0xFFFFFC00, s17;
	_ =	swait.ge [sflag:s15], $0x13C00  }
0x140: {  	s22 =	sand.u32 $0x60, s17;
	s18 =	sor.u32 $0x80, s21;
	[sflag:s15] =	ssyncset.done $0x0  }
0x141: {  	s23 =	sor.u32 s22, s18;
	[sflag:s15] =	ssyncadd.s32 $0xFFFEC400  }
0x142: {  	v2 =	vld [tilespmem:s23+$0x0]  }
0x143: {  	v3 =	vld [tilespmem:s23+$0x80];
	_ =	sdelay $0x1  }
0x144: {  	v4 =	vld [tilespmem:s23+$0x100];
	_ =	sdelay $0x1  }
0x145: {  	v5 =	vld [tilespmem:s23+$0x180]  }
0x146: {  	v2 =	vadd.f32 v3, v2  }
0x147: {  	v3 =	vld [tilespmem:s23+$0x200]  }
0x148: {  	v2 =	vadd.f32 v4, v2  }
0x149: {  	v4 =	vld [tilespmem:s23+$0x280]  }
0x14a: {  	v2 =	vadd.f32 v5, v2  }
0x14b: {  	v5 =	vld [tilespmem:s23+$0x300]  }
0x14c: {  	v2 =	vadd.f32 v3, v2  }
0x14d: {  	v3 =	vld [tilespmem:s23+$0x380]  }
0x14e: {  	s26 =	simm.s32 $0x13C80;
	v2 =	vadd.f32 v4, v2  }
0x14f: {  	v4 =	vld [tilespmem:s26+$0x0]  }
0x150: {  	v2 =	vadd.f32 v5, v2;
	_ =	sdelay $0x1  }
0x151: {  	v2 =	vadd.f32 v3, v2;
	_ =	sdelay $0x1  }
0x152: {  	v2 =	vadd.f32 v2, v4  }
0x153: {  	s19 =	sor.u32 $0x10, s22  }
0x154: {  	s18 =	sor.u32 s19, s18;
	[tilespmem:s26+$0x0] =	vst v2  }
0x155: {  	v2 =	vld [tilespmem:s18+$0x0]  }
0x156: {  	v3 =	vld [tilespmem:s18+$0x80];
	_ =	sdelay $0x1  }
0x157: {  	v4 =	vld [tilespmem:s18+$0x100];
	_ =	sdelay $0x1  }
0x158: {  	v5 =	vld [tilespmem:s18+$0x180]  }
0x159: {  	v2 =	vadd.f32 v3, v2  }
0x15a: {  	v3 =	vld [tilespmem:s18+$0x200]  }
0x15b: {  	v2 =	vadd.f32 v4, v2  }
0x15c: {  	v4 =	vld [tilespmem:s18+$0x280]  }
0x15d: {  	v2 =	vadd.f32 v5, v2  }
0x15e: {  	v5 =	vld [tilespmem:s18+$0x300]  }
0x15f: {  	v2 =	vadd.f32 v3, v2;
	_ =	sdelay $0x1  }
0x160: {  	s31 =	sand.u32 $0x7FFFFF80, s17;
	v3 =	vld [tilespmem:s18+$0x380];
	v2 =	vadd.f32 v4, v2  }
0x161: {  	s21 =	sor.u32 s19, s31  }
0x162: {  	v4 =	vadd.f32 v5, v2;
	v2 =	vld [tilespmem:s21+$0x13C80];
	_ =	sdelay $0x2  }
0x163: {  	s19 =	simm.s32 $0x2;
	s20 =	simm.s32 $0x100;
	s18 =	simm.s32 $0x13CA0;
	v3 =	vadd.f32 v3, v4  }
.LBB2_4:
0x164: {  	s19 =	sadd.s32 $0x2, s19;
	s22 =	sand.u32 $0xFFFFFC00, s20;
	s17 =	sadd.s32 $0x20, s17  }
0x165: {  	p0 =	slt.u32 s19, $0x276;
	s23 =	sand.u32 $0x60, s17;
	s22 =	sor.u32 $0x80, s22;
	v2 =	vadd.f32 v3, v2  }
0x166: {  	s26 =	sor.u32 s23, s22  }
0x167: {  	[tilespmem:s21+$0x13C80] =	vst v2  }
0x168: {  	v2 =	vld [tilespmem:s26+$0x0]  }
0x169: {  	v3 =	vld [tilespmem:s26+$0x80];
	_ =	sdelay $0x1  }
0x16a: {  	v4 =	vld [tilespmem:s26+$0x100];
	_ =	sdelay $0x1  }
0x16b: {  	v5 =	vld [tilespmem:s26+$0x180]  }
0x16c: {  	v2 =	vadd.f32 v3, v2  }
0x16d: {  	v3 =	vld [tilespmem:s26+$0x200]  }
0x16e: {  	v2 =	vadd.f32 v4, v2  }
0x16f: {  	v4 =	vld [tilespmem:s26+$0x280]  }
0x170: {  	v2 =	vadd.f32 v5, v2  }
0x171: {  	v5 =	vld [tilespmem:s26+$0x300]  }
0x172: {  	v2 =	vadd.f32 v3, v2  }
0x173: {  	v3 =	vld [tilespmem:s26+$0x380]  }
0x174: {  	v2 =	vadd.f32 v4, v2  }
0x175: {  	v4 =	vld [tilespmem:s18+$0x0]  }
0x176: {  	v2 =	vadd.f32 v5, v2;
	_ =	sdelay $0x1  }
0x177: {  	v2 =	vadd.f32 v3, v2;
	_ =	sdelay $0x1  }
0x178: {  	v2 =	vadd.f32 v2, v4  }
0x179: {  	s21 =	sor.u32 $0x10, s23  }
0x17a: {  	s22 =	sor.u32 s21, s22;
	[tilespmem:s18+$0x0] =	vst v2  }
0x17b: {  	v2 =	vld [tilespmem:s22+$0x0]  }
0x17c: {  	v3 =	vld [tilespmem:s22+$0x80];
	_ =	sdelay $0x1  }
0x17d: {  	v4 =	vld [tilespmem:s22+$0x100]  }
0x17e: {  	v5 =	vld [tilespmem:s22+$0x180];
	_ =	sdelay $0x1  }
0x17f: {  	v2 =	vadd.f32 v3, v2;
	v3 =	vld [tilespmem:s22+$0x200];
	_ =	sdelay $0x1  }
0x180: {  	v2 =	vadd.f32 v4, v2;
	v4 =	vld [tilespmem:s22+$0x280];
	_ =	sdelay $0x1  }
0x181: {  	v2 =	vadd.f32 v5, v2;
	v5 =	vld [tilespmem:s22+$0x300];
	_ =	sdelay $0x1  }
0x182: {  	v2 =	vadd.f32 v3, v2;
	v3 =	vld [tilespmem:s22+$0x380];
	s22 =	sand.u32 $0x7FFFFF80, s17  }
0x183: {  	s21 =	sor.u32 s21, s22  }
.Ltmp1:
0x184: {  	v4 =	vadd.f32 v4, v2;
	v2 =	vld [tilespmem:s21+$0x13C80];
	(pc) =	sbr.rel @p0 .LBB2_4-.Ltmp1, $3  }
0x185: {  	_ = 	snop  }
0x186: {  	v4 =	vadd.f32 v5, v4;
	_ =	sdelay $0x1  }
0x187: {  	s20 =	sadd.s32 $0x100, s20;
	s18 =	sadd.s32 $0x20, s18;
	v3 =	vadd.f32 v3, v4  }
0x188: {  	_ = 	snop  }
0x189: {  	s19 =	sand.u32 $0xFFFFFC00, s20;
	s17 =	sadd.s32 $0x20, s17;
	v2 =	vadd.f32 v3, v2  }
0x18a: {  	s23 =	sand.u32 $0x60, s17;
	s19 =	sor.u32 $0x80, s19  }
0x18b: {  	s22 =	sor.u32 s23, s19;
	[tilespmem:s21+$0x13C80] =	vst v2  }
0x18c: {  	v2 =	vld [tilespmem:s22+$0x0]  }
0x18d: {  	v3 =	vld [tilespmem:s22+$0x80];
	_ =	sdelay $0x1  }
0x18e: {  	v4 =	vld [tilespmem:s22+$0x100];
	_ =	sdelay $0x1  }
0x18f: {  	v5 =	vld [tilespmem:s22+$0x180]  }
0x190: {  	v2 =	vadd.f32 v3, v2  }
0x191: {  	v3 =	vld [tilespmem:s22+$0x200]  }
0x192: {  	v2 =	vadd.f32 v4, v2  }
0x193: {  	v56 =	vld [tilespmem:s22+$0x280]  }
0x194: {  	v2 =	vadd.f32 v5, v2  }
0x195: {  	v57 =	vld [tilespmem:s22+$0x300]  }
0x196: {  	v2 =	vadd.f32 v3, v2  }
0x197: {  	v3 =	vld [tilespmem:s22+$0x380]  }
0x198: {  	v2 =	vadd.f32 v56, v2  }
0x199: {  	v58 =	vld [tilespmem:s18+$0x0]  }
0x19a: {  	v2 =	vadd.f32 v57, v2;
	_ =	sdelay $0x1  }
0x19b: {  	v2 =	vadd.f32 v3, v2;
	_ =	sdelay $0x1  }
0x19c: {  	v2 =	vadd.f32 v2, v58  }
0x19d: {  	s20 =	sor.u32 $0x10, s23  }
0x19e: {  	s26 =	sor.u32 s20, s19;
	[tilespmem:s18+$0x0] =	vst v2  }
0x19f: {  	v2 =	vld [tilespmem:s26+$0x0]  }
0x1a0: {  	v3 =	vld [tilespmem:s26+$0x80];
	_ =	sdelay $0x1  }
0x1a1: {  	v59 =	vld [tilespmem:s26+$0x100];
	_ =	sdelay $0x1  }
0x1a2: {  	v60 =	vld [tilespmem:s26+$0x180]  }
0x1a3: {  	v2 =	vadd.f32 v3, v2  }
0x1a4: {  	v3 =	vld [tilespmem:s26+$0x200]  }
0x1a5: {  	v2 =	vadd.f32 v59, v2  }
0x1a6: {  	v61 =	vld [tilespmem:s26+$0x280]  }
0x1a7: {  	v2 =	vadd.f32 v60, v2  }
0x1a8: {  	v62 =	vld [tilespmem:s26+$0x300]  }
0x1a9: {  	v2 =	vadd.f32 v3, v2  }
0x1aa: {  	s17 =	sand.u32 $0x7FFFFF80, s17;
	v3 =	vld [tilespmem:s26+$0x380]  }
0x1ab: {  	s17 =	sor.u32 s20, s17;
	v2 =	vadd.f32 v61, v2  }
0x1ac: {  	v63 =	vld [tilespmem:s17+$0x13C80]  }
0x1ad: {  	v2 =	vadd.f32 v62, v2;
	_ =	sdelay $0x1  }
0x1ae: {  	v2 =	vadd.f32 v3, v2;
	_ =	sdelay $0x1  }
0x1af: {  	v2 =	vadd.f32 v2, v63  }
0x1b0: {  	s0 =	rddreg [dreg:$0x15]  }
0x1b1: {  	s1 =	simm.s32 $0x80;
	s4 =	simm.s32 $0x400;
	s20 =	simm.s32 $0x13C80;
	[tilespmem:s17+$0x13C80] =	vst v2  }
0x1b2: {  	[hbm4b:s0+s1] =	stream.strided.scatter [tilespmem:s20], [sflag:$0x2], $0x2780, s4, s1, $0x38;
	[tilespmem:$0x16400] =	vst v63  }
0x1b3: {  	_ =	swait.ge [sflag:s14], $0x2780  }
0x1b4: {  	s16 =	sadd.s32 $0x1, s16;
	s31 =	rddreg [dreg:$0x16]  }
0x1b5: {  	p0 =	sne.s32 s16, s31  }
.Ltmp2:
0x1b6: {  	_ = 	snop;
	(pc) =	sbr.rel @p0 .LBB2_1-.Ltmp2, $3  }
0x1b7: {  	_ =	sdelay $0x1  }
0x1b8: {  	[sflag:s14] =	ssyncset.done $0x0  }
0x1b9: {  	[sflag:s14] =	ssyncadd.s32 $0xFFFFD880  }
0x1ba: {  	_ =	sfence.sel $0x180000  }
0x1bb: {  	[bflag:$0x0] =	sbarrier.arrive $0xFFFF  }
0x1bc: {  	_ =	strace $0x90000047  }
0x1bd: {  	s0 =	stileid.u32;
	[bflag:$0x2] =	sbarrier.arrive $0xFFFF  }
0x1be: {  	p0 =	sne.s32 s0, $0x0;
	s0 =	rddreg [dreg:$0x2]  }
0x1bf: {  	s0 =	sadd.s32 @!p0 $0x100000, s0  }
0x1c0: {  	[sflag:s0] =	ssyncadd.tile.s32 @!p0 $0x1;
	_ =	shalt  }
.Lfunc_end2:
_tile_overlayer_lowered:
.L_overlay_start_2:
0x1c1: {  	(tag) =	ssettag $0x2  }
0x1c2: {  	s0 =	rddreg [dreg:$0x0];
	s2 =	stileid.u32  }
0x1c3: {  	s1 =	rddreg [dreg:$0x1];
	p0 =	sne.s32 s2, $0x0  }
0x1c4: {  	s3 =	rddreg [dreg:$0x2];
	[bflag:$0x3] =	sbarrier.arrive $0xFFFF;
	s2 =	simm.s32 @!p0 $0x1C02  }
0x1c5: {  	[timem:s3], [sflag:s2] =	dma.local @!p0 [hbm:s0], s1  }
0x1c6: {  	s0 =	simm.s32 @!p0 $0x2  }
0x1c7: {  	_ =	swait.ge @!p0 [sflag:s0], s1  }
0x1c8: {  	s1 =	ssub.s32 @!p0 $0x0, s1;
	[sflag:s0] =	ssyncset.done @!p0 $0x0  }
0x1c9: {  	[sflag:s0] =	ssyncadd.s32 @!p0 s1  }
0x1ca: {  	[bflag:$0x3] =	sbarrier.arrive $0xFFFF  }
0x1cb: {  	_ =	shalt  }

</sc_bundles>
